<compile_context>
chip_gen: v7x
topology: tpu7x:2x2x1
jax: 0.10.2.dev20260603
libtpu: 0.0.44.dev20260713+nightly
codegen_flags: <defaults>
</compile_context>

<pallas_src>
import functools

import jax
import jax.numpy as jnp
from jax import lax
from jax.experimental import pallas as pl
from jax.experimental.pallas import tpu as pltpu
from jax.experimental.pallas import tpu_sc as plsc

N_ROWS = 320000
N_FEAT = 128
N_SEG = 10000
BLK = 128
N_BLKS = N_ROWS // BLK
SLAB = 640
LAST_SLAB = N_SEG - 15 * SLAB

_mesh = plsc.VectorSubcoreMesh(core_axis_name="core", subcore_axis_name="subcore")


@functools.partial(
    pl.kernel,
    out_type=(
        jax.ShapeDtypeStruct((2, N_SEG, N_FEAT), jnp.float32),
        jax.ShapeDtypeStruct((N_SEG,), jnp.float32),
        jax.ShapeDtypeStruct((N_SEG,), jnp.float32),
    ),
    mesh=_mesh,
    scratch_types=[
        pltpu.VMEM_SHARED((N_SEG, N_FEAT), jnp.float32),
        pltpu.VMEM_SHARED((N_SEG,), jnp.float32),
        pltpu.VMEM((64, N_FEAT), jnp.float32),
        pltpu.VMEM((SLAB,), jnp.float32),
        pltpu.VMEM((BLK,), jnp.float32),
        pltpu.SemaphoreType.DMA,
    ],
)
def _sc_segment_sum(x_hbm, b_hbm, sums_hbm, cnts0_hbm, cnts1_hbm,
                    sums_sh, cnts_sh, zbuf, zbuf1, ones_v, scat_sem):
    c = lax.axis_index("core")
    s = lax.axis_index("subcore")
    zero16 = jnp.zeros((16,), jnp.float32)
    one16 = jnp.ones((16,), jnp.float32)

    @pl.loop(0, 64)
    def _(r):
        for j in range(8):
            zbuf[r, pl.ds(j * 16, 16)] = zero16

    @pl.loop(0, SLAB // 16)
    def _(i):
        zbuf1[pl.ds(i * 16, 16)] = zero16

    for j in range(BLK // 16):
        ones_v[pl.ds(j * 16, 16)] = one16

    off = s * SLAB

    @pl.when(s < 15)
    def _():
        for k in range(SLAB // 64):
            pltpu.sync_copy(zbuf, sums_sh.at[pl.ds(off + k * 64, 64)])
        pltpu.sync_copy(zbuf1, cnts_sh.at[pl.ds(off, SLAB)])

    @pl.when(s == 15)
    def _():
        for k in range(LAST_SLAB // 64):
            pltpu.sync_copy(zbuf, sums_sh.at[pl.ds(off + k * 64, 64)])
        rem = LAST_SLAB % 64
        if rem:
            pltpu.sync_copy(zbuf.at[pl.ds(0, rem)],
                            sums_sh.at[pl.ds(off + LAST_SLAB - rem, rem)])
        pltpu.sync_copy(zbuf1.at[pl.ds(0, LAST_SLAB)],
                        cnts_sh.at[pl.ds(off, LAST_SLAB)])

    plsc.subcore_barrier()

    def scat_body(x_v, i_v):
        a = pltpu.async_copy(x_v, sums_sh.at[i_v.at[0]], scat_sem, add=True)
        b = pltpu.async_copy(ones_v, cnts_sh.at[i_v.at[0]], scat_sem, add=True)
        a.wait()
        b.wait()

    pltpu.emit_pipeline(
        scat_body,
        grid=(N_BLKS,),
        in_specs=[
            pl.BlockSpec((BLK, N_FEAT), lambda i: (i, 0)),
            pl.BlockSpec((1, BLK), lambda i: (i, 0)),
        ],
        core_axis_name=("core", "subcore"),
        dimension_semantics=(pltpu.PARALLEL,),
        trace_scopes=False,
    )(x_hbm, b_hbm)

    plsc.subcore_barrier()

    for core_id, cnts_hbm in ((0, cnts0_hbm), (1, cnts1_hbm)):
        @pl.when((c == core_id) & (s < 15))
        def _():
            pltpu.sync_copy(sums_sh.at[pl.ds(off, SLAB)],
                            sums_hbm.at[c, pl.ds(off, SLAB)])
            pltpu.sync_copy(cnts_sh.at[pl.ds(off, SLAB)], zbuf1)
            pltpu.sync_copy(zbuf1, cnts_hbm.at[pl.ds(off, SLAB)])

        @pl.when((c == core_id) & (s == 15))
        def _():
            pltpu.sync_copy(sums_sh.at[pl.ds(off, LAST_SLAB)],
                            sums_hbm.at[c, pl.ds(off, LAST_SLAB)])
            pltpu.sync_copy(cnts_sh.at[pl.ds(off, LAST_SLAB)],
                            zbuf1.at[pl.ds(0, LAST_SLAB)])
            pltpu.sync_copy(zbuf1.at[pl.ds(0, LAST_SLAB)],
                            cnts_hbm.at[pl.ds(off, LAST_SLAB)])


def _div_body(s_ref, c0_ref, c1_ref, o_ref):
    sm = s_ref[0] + s_ref[1]
    ct = jnp.maximum(c0_ref[...] + c1_ref[...], 1.0)
    o_ref[...] = sm / ct[:, None]


_tc_divide = pl.pallas_call(
    _div_body,
    out_shape=jax.ShapeDtypeStruct((N_SEG, N_FEAT), jnp.float32),
)


def kernel(x, batch):
    b32 = batch.astype(jnp.int32).reshape(N_BLKS, BLK)
    sums, cnts0, cnts1 = _sc_segment_sum(x, b32)
    return _tc_divide(sums, cnts0, cnts1)

# --- scband reference (transcript-rebuilt; emitter-appended) ---
"""Pipeline reference for scband-tox21-global-mean-pool-77025943487113 (READ-ONLY COPY).

The authoritative reference and input builder live on the scoring server;
editing this copy changes nothing except your own understanding.
"""

import jax, jax.numpy as jnp
import numpy as np

NUM_SEGMENTS = 10000

def setup_inputs(seed: int = 0) -> dict:
    key = jax.random.key(seed)
    k1, k2 = jax.random.split(key)
    x = jax.random.normal(k1, (320000, 128), dtype=jnp.float32)
    batch = jnp.sort(jax.random.randint(k2, (320000,), 0, NUM_SEGMENTS, dtype=jnp.int64))
    return {"x": x, "batch": batch}

def reference(x, batch):
    # global_mean_pool: segment mean of node features x over graph ids `batch`
    sums = jax.ops.segment_sum(x, batch, num_segments=NUM_SEGMENTS)
    counts = jax.ops.segment_sum(jnp.ones((x.shape[0],), dtype=x.dtype), batch, num_segments=NUM_SEGMENTS)
    counts = jnp.maximum(counts, 1.0)
    return sums / counts[:, None]

if __name__ == "__main__":
    import jax
    _d = setup_inputs()
    print(jax.jit(kernel)(*tuple(_d.values())))

</pallas_src>

<mosaic_0001>
#map = affine_map<(d0, d1) -> (0, 0)>
#map1 = affine_map<(d0, d1) -> (0, 0, 0)>
#map2 = affine_map<(d0, d1) -> (0)>
module attributes {stable_mosaic.version = 14 : i64} {
  func.func @_sc_segment_sum(%arg0: i32, %arg1: i32, %arg2: memref<320000x128xf32, #tpu.memory_space<hbm>>, %arg3: memref<2500x128xi32, #tpu.memory_space<hbm>>, %arg4: memref<2x10000x128xf32, #tpu.memory_space<hbm>>, %arg5: memref<10000xf32, #tpu.memory_space<hbm>>, %arg6: memref<10000xf32, #tpu.memory_space<hbm>>, %arg7: memref<10000x128xf32, #tpu.memory_space<vmem_shared>>, %arg8: memref<10000xf32, #tpu.memory_space<vmem_shared>>, %arg9: memref<64x128xf32, #tpu.memory_space<vmem>>, %arg10: memref<640xf32, #tpu.memory_space<vmem>>, %arg11: memref<128xf32, #tpu.memory_space<vmem>>, %arg12: memref<!tpu.dma_semaphore, #tpu.memory_space<semaphore_mem>>) attributes {dimension_semantics = [#tpu.dimension_semantics<core_parallel>, #tpu.dimension_semantics<subcore_parallel>], iteration_bounds = array<i64: 2, 16>, scalar_prefetch = 0 : i64, scratch_operands = 6 : i64, tpu.core_type = #tpu.core_type<sc_vector_subcore>, window_params = [{transform_indices = #map}, {transform_indices = #map}, {transform_indices = #map1}, {transform_indices = #map2}, {transform_indices = #map2}]} {
    %broadcast_in_dim3A = arith.constant 0.000000e+00 : f32
    %broadcast_in_dim3A_0 = vector.broadcast %broadcast_in_dim3A : f32 to vector<16xf32>
    %broadcast_in_dim3A_1 = arith.constant 1.000000e+00 : f32
    %broadcast_in_dim3A_2 = vector.broadcast %broadcast_in_dim3A_1 : f32 to vector<16xf32>
    %scan3A = arith.constant 0 : i32
    %scan3A_3 = arith.constant 64 : i32
    %scan3A_4 = arith.addi %scan3A, %scan3A_3 : i32
    %scan3A_5 = arith.constant 1 : i32
    scf.for %scan3A_101 = %scan3A to %scan3A_4 step %scan3A_5  : i32 {
      %mul3A_102 = arith.constant 1 : i32
      %mul3A_103 = arith.muli %scan3A_101, %mul3A_102 : i32
      %add3A_104 = arith.constant 0 : i32
      %add3A_105 = arith.addi %add3A_104, %mul3A_103 : i32
      %swap3A_106 = arith.index_cast %add3A_105 : i32 to index
      %swap3A_107 = arith.constant 0 : index
      %swap3A_108 = tpu.vector_load %arg9[%swap3A_106, %swap3A_107] {strides = array<i32>} : memref<64x128xf32, #tpu.memory_space<vmem>>, vector<1x16xf32>,
      %swap3A_109 = vector.shape_cast %swap3A_108 : vector<1x16xf32> to vector<16xf32>
      %swap3A_110 = vector.shape_cast %broadcast_in_dim3A_0 : vector<16xf32> to vector<1x16xf32>
      tpu.vector_store %arg9[%swap3A_106, %swap3A_107], %swap3A_110 {strides = array<i32>} : memref<64x128xf32, #tpu.memory_space<vmem>>, vector<1x16xf32>,
      %swap3A_111 = arith.index_cast %add3A_105 : i32 to index
      %swap3A_112 = arith.constant 16 : index
      %swap3A_113 = tpu.vector_load %arg9[%swap3A_111, %swap3A_112] {strides = array<i32>} : memref<64x128xf32, #tpu.memory_space<vmem>>, vector<1x16xf32>,
      %swap3A_114 = vector.shape_cast %swap3A_113 : vector<1x16xf32> to vector<16xf32>
      %swap3A_115 = vector.shape_cast %broadcast_in_dim3A_0 : vector<16xf32> to vector<1x16xf32>
      tpu.vector_store %arg9[%swap3A_111, %swap3A_112], %swap3A_115 {strides = array<i32>} : memref<64x128xf32, #tpu.memory_space<vmem>>, vector<1x16xf32>,
      %swap3A_116 = arith.index_cast %add3A_105 : i32 to index
      %swap3A_117 = arith.constant 32 : index
      %swap3A_118 = tpu.vector_load %arg9[%swap3A_116, %swap3A_117] {strides = array<i32>} : memref<64x128xf32, #tpu.memory_space<vmem>>, vector<1x16xf32>,
      %swap3A_119 = vector.shape_cast %swap3A_118 : vector<1x16xf32> to vector<16xf32>
      %swap3A_120 = vector.shape_cast %broadcast_in_dim3A_0 : vector<16xf32> to vector<1x16xf32>
      tpu.vector_store %arg9[%swap3A_116, %swap3A_117], %swap3A_120 {strides = array<i32>} : memref<64x128xf32, #tpu.memory_space<vmem>>, vector<1x16xf32>,
      %swap3A_121 = arith.index_cast %add3A_105 : i32 to index
      %swap3A_122 = arith.constant 48 : index
      %swap3A_123 = tpu.vector_load %arg9[%swap3A_121, %swap3A_122] {strides = array<i32>} : memref<64x128xf32, #tpu.memory_space<vmem>>, vector<1x16xf32>,
      %swap3A_124 = vector.shape_cast %swap3A_123 : vector<1x16xf32> to vector<16xf32>
      %swap3A_125 = vector.shape_cast %broadcast_in_dim3A_0 : vector<16xf32> to vector<1x16xf32>
      tpu.vector_store %arg9[%swap3A_121, %swap3A_122], %swap3A_125 {strides = array<i32>} : memref<64x128xf32, #tpu.memory_space<vmem>>, vector<1x16xf32>,
      %swap3A_126 = arith.index_cast %add3A_105 : i32 to index
      %swap3A_127 = arith.constant 64 : index
      %swap3A_128 = tpu.vector_load %arg9[%swap3A_126, %swap3A_127] {strides = array<i32>} : memref<64x128xf32, #tpu.memory_space<vmem>>, vector<1x16xf32>,
      %swap3A_129 = vector.shape_cast %swap3A_128 : vector<1x16xf32> to vector<16xf32>
      %swap3A_130 = vector.shape_cast %broadcast_in_dim3A_0 : vector<16xf32> to vector<1x16xf32>
      tpu.vector_store %arg9[%swap3A_126, %swap3A_127], %swap3A_130 {strides = array<i32>} : memref<64x128xf32, #tpu.memory_space<vmem>>, vector<1x16xf32>,
      %swap3A_131 = arith.index_cast %add3A_105 : i32 to index
      %swap3A_132 = arith.constant 80 : index
      %swap3A_133 = tpu.vector_load %arg9[%swap3A_131, %swap3A_132] {strides = array<i32>} : memref<64x128xf32, #tpu.memory_space<vmem>>, vector<1x16xf32>,
      %swap3A_134 = vector.shape_cast %swap3A_133 : vector<1x16xf32> to vector<16xf32>
      %swap3A_135 = vector.shape_cast %broadcast_in_dim3A_0 : vector<16xf32> to vector<1x16xf32>
      tpu.vector_store %arg9[%swap3A_131, %swap3A_132], %swap3A_135 {strides = array<i32>} : memref<64x128xf32, #tpu.memory_space<vmem>>, vector<1x16xf32>,
      %swap3A_136 = arith.index_cast %add3A_105 : i32 to index
      %swap3A_137 = arith.constant 96 : index
      %swap3A_138 = tpu.vector_load %arg9[%swap3A_136, %swap3A_137] {strides = array<i32>} : memref<64x128xf32, #tpu.memory_space<vmem>>, vector<1x16xf32>,
      %swap3A_139 = vector.shape_cast %swap3A_138 : vector<1x16xf32> to vector<16xf32>
      %swap3A_140 = vector.shape_cast %broadcast_in_dim3A_0 : vector<16xf32> to vector<1x16xf32>
      tpu.vector_store %arg9[%swap3A_136, %swap3A_137], %swap3A_140 {strides = array<i32>} : memref<64x128xf32, #tpu.memory_space<vmem>>, vector<1x16xf32>,
      %swap3A_141 = arith.index_cast %add3A_105 : i32 to index
      %swap3A_142 = arith.constant 112 : index
      %swap3A_143 = tpu.vector_load %arg9[%swap3A_141, %swap3A_142] {strides = array<i32>} : memref<64x128xf32, #tpu.memory_space<vmem>>, vector<1x16xf32>,
      %swap3A_144 = vector.shape_cast %swap3A_143 : vector<1x16xf32> to vector<16xf32>
      %swap3A_145 = vector.shape_cast %broadcast_in_dim3A_0 : vector<16xf32> to vector<1x16xf32>
      tpu.vector_store %arg9[%swap3A_141, %swap3A_142], %swap3A_145 {strides = array<i32>} : memref<64x128xf32, #tpu.memory_space<vmem>>, vector<1x16xf32>,
    }
    %scan3A_6 = arith.constant 64 : i32
    %scan3A_7 = arith.constant 0 : i32
    %scan3A_8 = arith.constant 40 : i32
    %scan3A_9 = arith.addi %scan3A_7, %scan3A_8 : i32
    %scan3A_10 = arith.constant 1 : i32
    scf.for %scan3A_101 = %scan3A_7 to %scan3A_9 step %scan3A_10  : i32 {
      %mul3A_102 = arith.constant 1 : i32
      %mul3A_103 = arith.muli %scan3A_101, %mul3A_102 : i32
      %add3A_104 = arith.constant 0 : i32
      %add3A_105 = arith.addi %add3A_104, %mul3A_103 : i32
      %mul3A_106 = arith.constant 16 : i32
      %mul3A_107 = arith.muli %add3A_105, %mul3A_106 : i32
      %swap3A_108 = arith.index_cast %mul3A_107 : i32 to index
      %swap3A_109 = tpu.vector_load %arg10[%swap3A_108] {strides = array<i32>} : memref<640xf32, #tpu.memory_space<vmem>>, vector<16xf32>,
      %swap3A_110 = vector.shape_cast %swap3A_109 : vector<16xf32> to vector<16xf32>
      %swap3A_111 = vector.shape_cast %broadcast_in_dim3A_0 : vector<16xf32> to vector<16xf32>
      tpu.vector_store %arg10[%swap3A_108], %swap3A_111 {strides = array<i32>} : memref<640xf32, #tpu.memory_space<vmem>>, vector<16xf32>,
    }
    %scan3A_11 = arith.constant 40 : i32
    %swap3A = arith.constant 0 : index
    %swap3A_12 = tpu.vector_load %arg11[%swap3A] {strides = array<i32>} : memref<128xf32, #tpu.memory_space<vmem>>, vector<16xf32>,
    %swap3A_13 = vector.shape_cast %swap3A_12 : vector<16xf32> to vector<16xf32>
    %swap3A_14 = vector.shape_cast %broadcast_in_dim3A_2 : vector<16xf32> to vector<16xf32>
    tpu.vector_store %arg11[%swap3A], %swap3A_14 {strides = array<i32>} : memref<128xf32, #tpu.memory_space<vmem>>, vector<16xf32>,
    %swap3A_15 = arith.constant 16 : index
    %swap3A_16 = tpu.vector_load %arg11[%swap3A_15] {strides = array<i32>} : memref<128xf32, #tpu.memory_space<vmem>>, vector<16xf32>,
    %swap3A_17 = vector.shape_cast %swap3A_16 : vector<16xf32> to vector<16xf32>
    %swap3A_18 = vector.shape_cast %broadcast_in_dim3A_2 : vector<16xf32> to vector<16xf32>
    tpu.vector_store %arg11[%swap3A_15], %swap3A_18 {strides = array<i32>} : memref<128xf32, #tpu.memory_space<vmem>>, vector<16xf32>,
    %swap3A_19 = arith.constant 32 : index
    %swap3A_20 = tpu.vector_load %arg11[%swap3A_19] {strides = array<i32>} : memref<128xf32, #tpu.memory_space<vmem>>, vector<16xf32>,
    %swap3A_21 = vector.shape_cast %swap3A_20 : vector<16xf32> to vector<16xf32>
    %swap3A_22 = vector.shape_cast %broadcast_in_dim3A_2 : vector<16xf32> to vector<16xf32>
    tpu.vector_store %arg11[%swap3A_19], %swap3A_22 {strides = array<i32>} : memref<128xf32, #tpu.memory_space<vmem>>, vector<16xf32>,
    %swap3A_23 = arith.constant 48 : index
    %swap3A_24 = tpu.vector_load %arg11[%swap3A_23] {strides = array<i32>} : memref<128xf32, #tpu.memory_space<vmem>>, vector<16xf32>,
    %swap3A_25 = vector.shape_cast %swap3A_24 : vector<16xf32> to vector<16xf32>
    %swap3A_26 = vector.shape_cast %broadcast_in_dim3A_2 : vector<16xf32> to vector<16xf32>
    tpu.vector_store %arg11[%swap3A_23], %swap3A_26 {strides = array<i32>} : memref<128xf32, #tpu.memory_space<vmem>>, vector<16xf32>,
    %swap3A_27 = arith.constant 64 : index
    %swap3A_28 = tpu.vector_load %arg11[%swap3A_27] {strides = array<i32>} : memref<128xf32, #tpu.memory_space<vmem>>, vector<16xf32>,
    %swap3A_29 = vector.shape_cast %swap3A_28 : vector<16xf32> to vector<16xf32>
    %swap3A_30 = vector.shape_cast %broadcast_in_dim3A_2 : vector<16xf32> to vector<16xf32>
    tpu.vector_store %arg11[%swap3A_27], %swap3A_30 {strides = array<i32>} : memref<128xf32, #tpu.memory_space<vmem>>, vector<16xf32>,
    %swap3A_31 = arith.constant 80 : index
    %swap3A_32 = tpu.vector_load %arg11[%swap3A_31] {strides = array<i32>} : memref<128xf32, #tpu.memory_space<vmem>>, vector<16xf32>,
    %swap3A_33 = vector.shape_cast %swap3A_32 : vector<16xf32> to vector<16xf32>
    %swap3A_34 = vector.shape_cast %broadcast_in_dim3A_2 : vector<16xf32> to vector<16xf32>
    tpu.vector_store %arg11[%swap3A_31], %swap3A_34 {strides = array<i32>} : memref<128xf32, #tpu.memory_space<vmem>>, vector<16xf32>,
    %swap3A_35 = arith.constant 96 : index
    %swap3A_36 = tpu.vector_load %arg11[%swap3A_35] {strides = array<i32>} : memref<128xf32, #tpu.memory_space<vmem>>, vector<16xf32>,
    %swap3A_37 = vector.shape_cast %swap3A_36 : vector<16xf32> to vector<16xf32>
    %swap3A_38 = vector.shape_cast %broadcast_in_dim3A_2 : vector<16xf32> to vector<16xf32>
    tpu.vector_store %arg11[%swap3A_35], %swap3A_38 {strides = array<i32>} : memref<128xf32, #tpu.memory_space<vmem>>, vector<16xf32>,
    %swap3A_39 = arith.constant 112 : index
    %swap3A_40 = tpu.vector_load %arg11[%swap3A_39] {strides = array<i32>} : memref<128xf32, #tpu.memory_space<vmem>>, vector<16xf32>,
    %swap3A_41 = vector.shape_cast %swap3A_40 : vector<16xf32> to vector<16xf32>
    %swap3A_42 = vector.shape_cast %broadcast_in_dim3A_2 : vector<16xf32> to vector<16xf32>
    tpu.vector_store %arg11[%swap3A_39], %swap3A_42 {strides = array<i32>} : memref<128xf32, #tpu.memory_space<vmem>>, vector<16xf32>,
    %mul3A = arith.constant 640 : i32
    %mul3A_43 = arith.muli %arg1, %mul3A : i32
    %lt3A = arith.constant 15 : i32
    %lt3A_44 = arith.cmpi slt, %arg1, %lt3A : i32
    %convert_element_type3A = arith.extui %lt3A_44 : i1 to i32
    %cond3A = arith.constant 0 : i32
    %cond3A_45 = arith.cmpi ne, %convert_element_type3A, %cond3A : i32
    scf.if %cond3A_45 {
      %add3A_101 = arith.constant 0 : i32
      %add3A_102 = arith.addi %mul3A_43, %add3A_101 : i32
      "tpu.region"() ({
        %run_scoped3A = tpu.sem_alloc : memref<!tpu.dma_semaphore, #tpu.memory_space<semaphore_mem>>
        %dma_start3A = arith.constant 0 : i32
        %dma_start3A_121 = tpu.memref_slice %arg7[%add3A_102, %dma_start3A] : memref<10000x128xf32, #tpu.memory_space<vmem_shared>> -> memref<64x128xf32, #tpu.memory_space<vmem_shared>>
        %dma_start3A_122 = arith.constant 0 : i32
        %dma_start3A_123 = tpu.memref_slice %arg7[%add3A_102, %dma_start3A_122] : memref<10000x128xf32, #tpu.memory_space<vmem_shared>> -> memref<64x128xf32, #tpu.memory_space<vmem_shared>>
        tpu.enqueue_dma source(%arg9 : memref<64x128xf32, #tpu.memory_space<vmem>>) target(%dma_start3A_123 : memref<64x128xf32, #tpu.memory_space<vmem_shared>>) target_semaphore(%run_scoped3A : memref<!tpu.dma_semaphore, #tpu.memory_space<semaphore_mem>>)
        %dma_wait3A = arith.constant 0 : i32
        %dma_wait3A_124 = tpu.memref_slice %arg7[%add3A_102, %dma_wait3A] : memref<10000x128xf32, #tpu.memory_space<vmem_shared>> -> memref<64x128xf32, #tpu.memory_space<vmem_shared>>
        %dma_wait3A_125 = arith.constant 0 : i32
        %dma_wait3A_126 = tpu.memref_slice %arg7[%add3A_102, %dma_wait3A_125] : memref<10000x128xf32, #tpu.memory_space<vmem_shared>> -> memref<64x128xf32, #tpu.memory_space<vmem_shared>>
        tpu.wait_dma2 semaphore(%run_scoped3A : memref<!tpu.dma_semaphore, #tpu.memory_space<semaphore_mem>>) src(%arg9 : memref<64x128xf32, #tpu.memory_space<vmem>>) dst(%dma_wait3A_126 : memref<64x128xf32, #tpu.memory_space<vmem_shared>>)
        tpu.yield
      }) : () -> ()
      %add3A_103 = arith.constant 64 : i32
      %add3A_104 = arith.addi %mul3A_43, %add3A_103 : i32
      "tpu.region"() ({
        %run_scoped3A = tpu.sem_alloc : memref<!tpu.dma_semaphore, #tpu.memory_space<semaphore_mem>>
        %dma_start3A = arith.constant 0 : i32
        %dma_start3A_121 = tpu.memref_slice %arg7[%add3A_104, %dma_start3A] : memref<10000x128xf32, #tpu.memory_space<vmem_shared>> -> memref<64x128xf32, #tpu.memory_space<vmem_shared>>
        %dma_start3A_122 = arith.constant 0 : i32
        %dma_start3A_123 = tpu.memref_slice %arg7[%add3A_104, %dma_start3A_122] : memref<10000x128xf32, #tpu.memory_space<vmem_shared>> -> memref<64x128xf32, #tpu.memory_space<vmem_shared>>
        tpu.enqueue_dma source(%arg9 : memref<64x128xf32, #tpu.memory_space<vmem>>) target(%dma_start3A_123 : memref<64x128xf32, #tpu.memory_space<vmem_shared>>) target_semaphore(%run_scoped3A : memref<!tpu.dma_semaphore, #tpu.memory_space<semaphore_mem>>)
        %dma_wait3A = arith.constant 0 : i32
        %dma_wait3A_124 = tpu.memref_slice %arg7[%add3A_104, %dma_wait3A] : memref<10000x128xf32, #tpu.memory_space<vmem_shared>> -> memref<64x128xf32, #tpu.memory_space<vmem_shared>>
        %dma_wait3A_125 = arith.constant 0 : i32
        %dma_wait3A_126 = tpu.memref_slice %arg7[%add3A_104, %dma_wait3A_125] : memref<10000x128xf32, #tpu.memory_space<vmem_shared>> -> memref<64x128xf32, #tpu.memory_space<vmem_shared>>
        tpu.wait_dma2 semaphore(%run_scoped3A : memref<!tpu.dma_semaphore, #tpu.memory_space<semaphore_mem>>) src(%arg9 : memref<64x128xf32, #tpu.memory_space<vmem>>) dst(%dma_wait3A_126 : memref<64x128xf32, #tpu.memory_space<vmem_shared>>)
        tpu.yield
      }) : () -> ()
      %add3A_105 = arith.constant 128 : i32
      %add3A_106 = arith.addi %mul3A_43, %add3A_105 : i32
      "tpu.region"() ({
        %run_scoped3A = tpu.sem_alloc : memref<!tpu.dma_semaphore, #tpu.memory_space<semaphore_mem>>
        %dma_start3A = arith.constant 0 : i32
        %dma_start3A_121 = tpu.memref_slice %arg7[%add3A_106, %dma_start3A] : memref<10000x128xf32, #tpu.memory_space<vmem_shared>> -> memref<64x128xf32, #tpu.memory_space<vmem_shared>>
        %dma_start3A_122 = arith.constant 0 : i32
        %dma_start3A_123 = tpu.memref_slice %arg7[%add3A_106, %dma_start3A_122] : memref<10000x128xf32, #tpu.memory_space<vmem_shared>> -> memref<64x128xf32, #tpu.memory_space<vmem_shared>>
        tpu.enqueue_dma source(%arg9 : memref<64x128xf32, #tpu.memory_space<vmem>>) target(%dma_start3A_123 : memref<64x128xf32, #tpu.memory_space<vmem_shared>>) target_semaphore(%run_scoped3A : memref<!tpu.dma_semaphore, #tpu.memory_space<semaphore_mem>>)
        %dma_wait3A = arith.constant 0 : i32
        %dma_wait3A_124 = tpu.memref_slice %arg7[%add3A_106, %dma_wait3A] : memref<10000x128xf32, #tpu.memory_space<vmem_shared>> -> memref<64x128xf32, #tpu.memory_space<vmem_shared>>
        %dma_wait3A_125 = arith.constant 0 : i32
        %dma_wait3A_126 = tpu.memref_slice %arg7[%add3A_106, %dma_wait3A_125] : memref<10000x128xf32, #tpu.memory_space<vmem_shared>> -> memref<64x128xf32, #tpu.memory_space<vmem_shared>>
        tpu.wait_dma2 semaphore(%run_scoped3A : memref<!tpu.dma_semaphore, #tpu.memory_space<semaphore_mem>>) src(%arg9 : memref<64x128xf32, #tpu.memory_space<vmem>>) dst(%dma_wait3A_126 : memref<64x128xf32, #tpu.memory_space<vmem_shared>>)
        tpu.yield
      }) : () -> ()
      %add3A_107 = arith.constant 192 : i32
      %add3A_108 = arith.addi %mul3A_43, %add3A_107 : i32
      "tpu.region"() ({
        %run_scoped3A = tpu.sem_alloc : memref<!tpu.dma_semaphore, #tpu.memory_space<semaphore_mem>>
        %dma_start3A = arith.constant 0 : i32
        %dma_start3A_121 = tpu.memref_slice %arg7[%add3A_108, %dma_start3A] : memref<10000x128xf32, #tpu.memory_space<vmem_shared>> -> memref<64x128xf32, #tpu.memory_space<vmem_shared>>
        %dma_start3A_122 = arith.constant 0 : i32
        %dma_start3A_123 = tpu.memref_slice %arg7[%add3A_108, %dma_start3A_122] : memref<10000x128xf32, #tpu.memory_space<vmem_shared>> -> memref<64x128xf32, #tpu.memory_space<vmem_shared>>
        tpu.enqueue_dma source(%arg9 : memref<64x128xf32, #tpu.memory_space<vmem>>) target(%dma_start3A_123 : memref<64x128xf32, #tpu.memory_space<vmem_shared>>) target_semaphore(%run_scoped3A : memref<!tpu.dma_semaphore, #tpu.memory_space<semaphore_mem>>)
        %dma_wait3A = arith.constant 0 : i32
        %dma_wait3A_124 = tpu.memref_slice %arg7[%add3A_108, %dma_wait3A] : memref<10000x128xf32, #tpu.memory_space<vmem_shared>> -> memref<64x128xf32, #tpu.memory_space<vmem_shared>>
        %dma_wait3A_125 = arith.constant 0 : i32
        %dma_wait3A_126 = tpu.memref_slice %arg7[%add3A_108, %dma_wait3A_125] : memref<10000x128xf32, #tpu.memory_space<vmem_shared>> -> memref<64x128xf32, #tpu.memory_space<vmem_shared>>
        tpu.wait_dma2 semaphore(%run_scoped3A : memref<!tpu.dma_semaphore, #tpu.memory_space<semaphore_mem>>) src(%arg9 : memref<64x128xf32, #tpu.memory_space<vmem>>) dst(%dma_wait3A_126 : memref<64x128xf32, #tpu.memory_space<vmem_shared>>)
        tpu.yield
      }) : () -> ()
      %add3A_109 = arith.constant 256 : i32
      %add3A_110 = arith.addi %mul3A_43, %add3A_109 : i32
      "tpu.region"() ({
        %run_scoped3A = tpu.sem_alloc : memref<!tpu.dma_semaphore, #tpu.memory_space<semaphore_mem>>
        %dma_start3A = arith.constant 0 : i32
        %dma_start3A_121 = tpu.memref_slice %arg7[%add3A_110, %dma_start3A] : memref<10000x128xf32, #tpu.memory_space<vmem_shared>> -> memref<64x128xf32, #tpu.memory_space<vmem_shared>>
        %dma_start3A_122 = arith.constant 0 : i32
        %dma_start3A_123 = tpu.memref_slice %arg7[%add3A_110, %dma_start3A_122] : memref<10000x128xf32, #tpu.memory_space<vmem_shared>> -> memref<64x128xf32, #tpu.memory_space<vmem_shared>>
        tpu.enqueue_dma source(%arg9 : memref<64x128xf32, #tpu.memory_space<vmem>>) target(%dma_start3A_123 : memref<64x128xf32, #tpu.memory_space<vmem_shared>>) target_semaphore(%run_scoped3A : memref<!tpu.dma_semaphore, #tpu.memory_space<semaphore_mem>>)
        %dma_wait3A = arith.constant 0 : i32
        %dma_wait3A_124 = tpu.memref_slice %arg7[%add3A_110, %dma_wait3A] : memref<10000x128xf32, #tpu.memory_space<vmem_shared>> -> memref<64x128xf32, #tpu.memory_space<vmem_shared>>
        %dma_wait3A_125 = arith.constant 0 : i32
        %dma_wait3A_126 = tpu.memref_slice %arg7[%add3A_110, %dma_wait3A_125] : memref<10000x128xf32, #tpu.memory_space<vmem_shared>> -> memref<64x128xf32, #tpu.memory_space<vmem_shared>>
        tpu.wait_dma2 semaphore(%run_scoped3A : memref<!tpu.dma_semaphore, #tpu.memory_space<semaphore_mem>>) src(%arg9 : memref<64x128xf32, #tpu.memory_space<vmem>>) dst(%dma_wait3A_126 : memref<64x128xf32, #tpu.memory_space<vmem_shared>>)
        tpu.yield
      }) : () -> ()
      %add3A_111 = arith.constant 320 : i32
      %add3A_112 = arith.addi %mul3A_43, %add3A_111 : i32
      "tpu.region"() ({
        %run_scoped3A = tpu.sem_alloc : memref<!tpu.dma_semaphore, #tpu.memory_space<semaphore_mem>>
        %dma_start3A = arith.constant 0 : i32
        %dma_start3A_121 = tpu.memref_slice %arg7[%add3A_112, %dma_start3A] : memref<10000x128xf32, #tpu.memory_space<vmem_shared>> -> memref<64x128xf32, #tpu.memory_space<vmem_shared>>
        %dma_start3A_122 = arith.constant 0 : i32
        %dma_start3A_123 = tpu.memref_slice %arg7[%add3A_112, %dma_start3A_122] : memref<10000x128xf32, #tpu.memory_space<vmem_shared>> -> memref<64x128xf32, #tpu.memory_space<vmem_shared>>
        tpu.enqueue_dma source(%arg9 : memref<64x128xf32, #tpu.memory_space<vmem>>) target(%dma_start3A_123 : memref<64x128xf32, #tpu.memory_space<vmem_shared>>) target_semaphore(%run_scoped3A : memref<!tpu.dma_semaphore, #tpu.memory_space<semaphore_mem>>)
        %dma_wait3A = arith.constant 0 : i32
        %dma_wait3A_124 = tpu.memref_slice %arg7[%add3A_112, %dma_wait3A] : memref<10000x128xf32, #tpu.memory_space<vmem_shared>> -> memref<64x128xf32, #tpu.memory_space<vmem_shared>>
        %dma_wait3A_125 = arith.constant 0 : i32
        %dma_wait3A_126 = tpu.memref_slice %arg7[%add3A_112, %dma_wait3A_125] : memref<10000x128xf32, #tpu.memory_space<vmem_shared>> -> memref<64x128xf32, #tpu.memory_space<vmem_shared>>
        tpu.wait_dma2 semaphore(%run_scoped3A : memref<!tpu.dma_semaphore, #tpu.memory_space<semaphore_mem>>) src(%arg9 : memref<64x128xf32, #tpu.memory_space<vmem>>) dst(%dma_wait3A_126 : memref<64x128xf32, #tpu.memory_space<vmem_shared>>)
        tpu.yield
      }) : () -> ()
      %add3A_113 = arith.constant 384 : i32
      %add3A_114 = arith.addi %mul3A_43, %add3A_113 : i32
      "tpu.region"() ({
        %run_scoped3A = tpu.sem_alloc : memref<!tpu.dma_semaphore, #tpu.memory_space<semaphore_mem>>
        %dma_start3A = arith.constant 0 : i32
        %dma_start3A_121 = tpu.memref_slice %arg7[%add3A_114, %dma_start3A] : memref<10000x128xf32, #tpu.memory_space<vmem_shared>> -> memref<64x128xf32, #tpu.memory_space<vmem_shared>>
        %dma_start3A_122 = arith.constant 0 : i32
        %dma_start3A_123 = tpu.memref_slice %arg7[%add3A_114, %dma_start3A_122] : memref<10000x128xf32, #tpu.memory_space<vmem_shared>> -> memref<64x128xf32, #tpu.memory_space<vmem_shared>>
        tpu.enqueue_dma source(%arg9 : memref<64x128xf32, #tpu.memory_space<vmem>>) target(%dma_start3A_123 : memref<64x128xf32, #tpu.memory_space<vmem_shared>>) target_semaphore(%run_scoped3A : memref<!tpu.dma_semaphore, #tpu.memory_space<semaphore_mem>>)
        %dma_wait3A = arith.constant 0 : i32
        %dma_wait3A_124 = tpu.memref_slice %arg7[%add3A_114, %dma_wait3A] : memref<10000x128xf32, #tpu.memory_space<vmem_shared>> -> memref<64x128xf32, #tpu.memory_space<vmem_shared>>
        %dma_wait3A_125 = arith.constant 0 : i32
        %dma_wait3A_126 = tpu.memref_slice %arg7[%add3A_114, %dma_wait3A_125] : memref<10000x128xf32, #tpu.memory_space<vmem_shared>> -> memref<64x128xf32, #tpu.memory_space<vmem_shared>>
        tpu.wait_dma2 semaphore(%run_scoped3A : memref<!tpu.dma_semaphore, #tpu.memory_space<semaphore_mem>>) src(%arg9 : memref<64x128xf32, #tpu.memory_space<vmem>>) dst(%dma_wait3A_126 : memref<64x128xf32, #tpu.memory_space<vmem_shared>>)
        tpu.yield
      }) : () -> ()
      %add3A_115 = arith.constant 448 : i32
      %add3A_116 = arith.addi %mul3A_43, %add3A_115 : i32
      "tpu.region"() ({
        %run_scoped3A = tpu.sem_alloc : memref<!tpu.dma_semaphore, #tpu.memory_space<semaphore_mem>>
        %dma_start3A = arith.constant 0 : i32
        %dma_start3A_121 = tpu.memref_slice %arg7[%add3A_116, %dma_start3A] : memref<10000x128xf32, #tpu.memory_space<vmem_shared>> -> memref<64x128xf32, #tpu.memory_space<vmem_shared>>
        %dma_start3A_122 = arith.constant 0 : i32
        %dma_start3A_123 = tpu.memref_slice %arg7[%add3A_116, %dma_start3A_122] : memref<10000x128xf32, #tpu.memory_space<vmem_shared>> -> memref<64x128xf32, #tpu.memory_space<vmem_shared>>
        tpu.enqueue_dma source(%arg9 : memref<64x128xf32, #tpu.memory_space<vmem>>) target(%dma_start3A_123 : memref<64x128xf32, #tpu.memory_space<vmem_shared>>) target_semaphore(%run_scoped3A : memref<!tpu.dma_semaphore, #tpu.memory_space<semaphore_mem>>)
        %dma_wait3A = arith.constant 0 : i32
        %dma_wait3A_124 = tpu.memref_slice %arg7[%add3A_116, %dma_wait3A] : memref<10000x128xf32, #tpu.memory_space<vmem_shared>> -> memref<64x128xf32, #tpu.memory_space<vmem_shared>>
        %dma_wait3A_125 = arith.constant 0 : i32
        %dma_wait3A_126 = tpu.memref_slice %arg7[%add3A_116, %dma_wait3A_125] : memref<10000x128xf32, #tpu.memory_space<vmem_shared>> -> memref<64x128xf32, #tpu.memory_space<vmem_shared>>
        tpu.wait_dma2 semaphore(%run_scoped3A : memref<!tpu.dma_semaphore, #tpu.memory_space<semaphore_mem>>) src(%arg9 : memref<64x128xf32, #tpu.memory_space<vmem>>) dst(%dma_wait3A_126 : memref<64x128xf32, #tpu.memory_space<vmem_shared>>)
        tpu.yield
      }) : () -> ()
      %add3A_117 = arith.constant 512 : i32
      %add3A_118 = arith.addi %mul3A_43, %add3A_117 : i32
      "tpu.region"() ({
        %run_scoped3A = tpu.sem_alloc : memref<!tpu.dma_semaphore, #tpu.memory_space<semaphore_mem>>
        %dma_start3A = arith.constant 0 : i32
        %dma_start3A_121 = tpu.memref_slice %arg7[%add3A_118, %dma_start3A] : memref<10000x128xf32, #tpu.memory_space<vmem_shared>> -> memref<64x128xf32, #tpu.memory_space<vmem_shared>>
        %dma_start3A_122 = arith.constant 0 : i32
        %dma_start3A_123 = tpu.memref_slice %arg7[%add3A_118, %dma_start3A_122] : memref<10000x128xf32, #tpu.memory_space<vmem_shared>> -> memref<64x128xf32, #tpu.memory_space<vmem_shared>>
        tpu.enqueue_dma source(%arg9 : memref<64x128xf32, #tpu.memory_space<vmem>>) target(%dma_start3A_123 : memref<64x128xf32, #tpu.memory_space<vmem_shared>>) target_semaphore(%run_scoped3A : memref<!tpu.dma_semaphore, #tpu.memory_space<semaphore_mem>>)
        %dma_wait3A = arith.constant 0 : i32
        %dma_wait3A_124 = tpu.memref_slice %arg7[%add3A_118, %dma_wait3A] : memref<10000x128xf32, #tpu.memory_space<vmem_shared>> -> memref<64x128xf32, #tpu.memory_space<vmem_shared>>
        %dma_wait3A_125 = arith.constant 0 : i32
        %dma_wait3A_126 = tpu.memref_slice %arg7[%add3A_118, %dma_wait3A_125] : memref<10000x128xf32, #tpu.memory_space<vmem_shared>> -> memref<64x128xf32, #tpu.memory_space<vmem_shared>>
        tpu.wait_dma2 semaphore(%run_scoped3A : memref<!tpu.dma_semaphore, #tpu.memory_space<semaphore_mem>>) src(%arg9 : memref<64x128xf32, #tpu.memory_space<vmem>>) dst(%dma_wait3A_126 : memref<64x128xf32, #tpu.memory_space<vmem_shared>>)
        tpu.yield
      }) : () -> ()
      %add3A_119 = arith.constant 576 : i32
      %add3A_120 = arith.addi %mul3A_43, %add3A_119 : i32
      "tpu.region"() ({
        %run_scoped3A = tpu.sem_alloc : memref<!tpu.dma_semaphore, #tpu.memory_space<semaphore_mem>>
        %dma_start3A = arith.constant 0 : i32
        %dma_start3A_121 = tpu.memref_slice %arg7[%add3A_120, %dma_start3A] : memref<10000x128xf32, #tpu.memory_space<vmem_shared>> -> memref<64x128xf32, #tpu.memory_space<vmem_shared>>
        %dma_start3A_122 = arith.constant 0 : i32
        %dma_start3A_123 = tpu.memref_slice %arg7[%add3A_120, %dma_start3A_122] : memref<10000x128xf32, #tpu.memory_space<vmem_shared>> -> memref<64x128xf32, #tpu.memory_space<vmem_shared>>
        tpu.enqueue_dma source(%arg9 : memref<64x128xf32, #tpu.memory_space<vmem>>) target(%dma_start3A_123 : memref<64x128xf32, #tpu.memory_space<vmem_shared>>) target_semaphore(%run_scoped3A : memref<!tpu.dma_semaphore, #tpu.memory_space<semaphore_mem>>)
        %dma_wait3A = arith.constant 0 : i32
        %dma_wait3A_124 = tpu.memref_slice %arg7[%add3A_120, %dma_wait3A] : memref<10000x128xf32, #tpu.memory_space<vmem_shared>> -> memref<64x128xf32, #tpu.memory_space<vmem_shared>>
        %dma_wait3A_125 = arith.constant 0 : i32
        %dma_wait3A_126 = tpu.memref_slice %arg7[%add3A_120, %dma_wait3A_125] : memref<10000x128xf32, #tpu.memory_space<vmem_shared>> -> memref<64x128xf32, #tpu.memory_space<vmem_shared>>
        tpu.wait_dma2 semaphore(%run_scoped3A : memref<!tpu.dma_semaphore, #tpu.memory_space<semaphore_mem>>) src(%arg9 : memref<64x128xf32, #tpu.memory_space<vmem>>) dst(%dma_wait3A_126 : memref<64x128xf32, #tpu.memory_space<vmem_shared>>)
        tpu.yield
      }) : () -> ()
      "tpu.region"() ({
        %run_scoped3A = tpu.sem_alloc : memref<!tpu.dma_semaphore, #tpu.memory_space<semaphore_mem>>
        %dma_start3A = tpu.memref_slice %arg8[%mul3A_43] : memref<10000xf32, #tpu.memory_space<vmem_shared>> -> memref<640xf32, #tpu.memory_space<vmem_shared>>
        %dma_start3A_121 = tpu.memref_slice %arg8[%mul3A_43] : memref<10000xf32, #tpu.memory_space<vmem_shared>> -> memref<640xf32, #tpu.memory_space<vmem_shared>>
        tpu.enqueue_dma source(%arg10 : memref<640xf32, #tpu.memory_space<vmem>>) target(%dma_start3A_121 : memref<640xf32, #tpu.memory_space<vmem_shared>>) target_semaphore(%run_scoped3A : memref<!tpu.dma_semaphore, #tpu.memory_space<semaphore_mem>>)
        %dma_wait3A = tpu.memref_slice %arg8[%mul3A_43] : memref<10000xf32, #tpu.memory_space<vmem_shared>> -> memref<640xf32, #tpu.memory_space<vmem_shared>>
        %dma_wait3A_122 = tpu.memref_slice %arg8[%mul3A_43] : memref<10000xf32, #tpu.memory_space<vmem_shared>> -> memref<640xf32, #tpu.memory_space<vmem_shared>>
        tpu.wait_dma2 semaphore(%run_scoped3A : memref<!tpu.dma_semaphore, #tpu.memory_space<semaphore_mem>>) src(%arg10 : memref<640xf32, #tpu.memory_space<vmem>>) dst(%dma_wait3A_122 : memref<640xf32, #tpu.memory_space<vmem_shared>>)
        tpu.yield
      }) : () -> ()
    } else {
    }
    %eq3A = arith.constant 15 : i32
    %eq3A_46 = arith.cmpi eq, %arg1, %eq3A : i32
    %convert_element_type3A_47 = arith.extui %eq3A_46 : i1 to i32
    %cond3A_48 = arith.constant 0 : i32
    %cond3A_49 = arith.cmpi ne, %convert_element_type3A_47, %cond3A_48 : i32
    scf.if %cond3A_49 {
      %add3A_101 = arith.constant 0 : i32
      %add3A_102 = arith.addi %mul3A_43, %add3A_101 : i32
      "tpu.region"() ({
        %run_scoped3A = tpu.sem_alloc : memref<!tpu.dma_semaphore, #tpu.memory_space<semaphore_mem>>
        %dma_start3A = arith.constant 0 : i32
        %dma_start3A_116 = tpu.memref_slice %arg7[%add3A_102, %dma_start3A] : memref<10000x128xf32, #tpu.memory_space<vmem_shared>> -> memref<64x128xf32, #tpu.memory_space<vmem_shared>>
        %dma_start3A_117 = arith.constant 0 : i32
        %dma_start3A_118 = tpu.memref_slice %arg7[%add3A_102, %dma_start3A_117] : memref<10000x128xf32, #tpu.memory_space<vmem_shared>> -> memref<64x128xf32, #tpu.memory_space<vmem_shared>>
        tpu.enqueue_dma source(%arg9 : memref<64x128xf32, #tpu.memory_space<vmem>>) target(%dma_start3A_118 : memref<64x128xf32, #tpu.memory_space<vmem_shared>>) target_semaphore(%run_scoped3A : memref<!tpu.dma_semaphore, #tpu.memory_space<semaphore_mem>>)
        %dma_wait3A = arith.constant 0 : i32
        %dma_wait3A_119 = tpu.memref_slice %arg7[%add3A_102, %dma_wait3A] : memref<10000x128xf32, #tpu.memory_space<vmem_shared>> -> memref<64x128xf32, #tpu.memory_space<vmem_shared>>
        %dma_wait3A_120 = arith.constant 0 : i32
        %dma_wait3A_121 = tpu.memref_slice %arg7[%add3A_102, %dma_wait3A_120] : memref<10000x128xf32, #tpu.memory_space<vmem_shared>> -> memref<64x128xf32, #tpu.memory_space<vmem_shared>>
        tpu.wait_dma2 semaphore(%run_scoped3A : memref<!tpu.dma_semaphore, #tpu.memory_space<semaphore_mem>>) src(%arg9 : memref<64x128xf32, #tpu.memory_space<vmem>>) dst(%dma_wait3A_121 : memref<64x128xf32, #tpu.memory_space<vmem_shared>>)
        tpu.yield
      }) : () -> ()
      %add3A_103 = arith.constant 64 : i32
      %add3A_104 = arith.addi %mul3A_43, %add3A_103 : i32
      "tpu.region"() ({
        %run_scoped3A = tpu.sem_alloc : memref<!tpu.dma_semaphore, #tpu.memory_space<semaphore_mem>>
        %dma_start3A = arith.constant 0 : i32
        %dma_start3A_116 = tpu.memref_slice %arg7[%add3A_104, %dma_start3A] : memref<10000x128xf32, #tpu.memory_space<vmem_shared>> -> memref<64x128xf32, #tpu.memory_space<vmem_shared>>
        %dma_start3A_117 = arith.constant 0 : i32
        %dma_start3A_118 = tpu.memref_slice %arg7[%add3A_104, %dma_start3A_117] : memref<10000x128xf32, #tpu.memory_space<vmem_shared>> -> memref<64x128xf32, #tpu.memory_space<vmem_shared>>
        tpu.enqueue_dma source(%arg9 : memref<64x128xf32, #tpu.memory_space<vmem>>) target(%dma_start3A_118 : memref<64x128xf32, #tpu.memory_space<vmem_shared>>) target_semaphore(%run_scoped3A : memref<!tpu.dma_semaphore, #tpu.memory_space<semaphore_mem>>)
        %dma_wait3A = arith.constant 0 : i32
        %dma_wait3A_119 = tpu.memref_slice %arg7[%add3A_104, %dma_wait3A] : memref<10000x128xf32, #tpu.memory_space<vmem_shared>> -> memref<64x128xf32, #tpu.memory_space<vmem_shared>>
        %dma_wait3A_120 = arith.constant 0 : i32
        %dma_wait3A_121 = tpu.memref_slice %arg7[%add3A_104, %dma_wait3A_120] : memref<10000x128xf32, #tpu.memory_space<vmem_shared>> -> memref<64x128xf32, #tpu.memory_space<vmem_shared>>
        tpu.wait_dma2 semaphore(%run_scoped3A : memref<!tpu.dma_semaphore, #tpu.memory_space<semaphore_mem>>) src(%arg9 : memref<64x128xf32, #tpu.memory_space<vmem>>) dst(%dma_wait3A_121 : memref<64x128xf32, #tpu.memory_space<vmem_shared>>)
        tpu.yield
      }) : () -> ()
      %add3A_105 = arith.constant 128 : i32
      %add3A_106 = arith.addi %mul3A_43, %add3A_105 : i32
      "tpu.region"() ({
        %run_scoped3A = tpu.sem_alloc : memref<!tpu.dma_semaphore, #tpu.memory_space<semaphore_mem>>
        %dma_start3A = arith.constant 0 : i32
        %dma_start3A_116 = tpu.memref_slice %arg7[%add3A_106, %dma_start3A] : memref<10000x128xf32, #tpu.memory_space<vmem_shared>> -> memref<64x128xf32, #tpu.memory_space<vmem_shared>>
        %dma_start3A_117 = arith.constant 0 : i32
        %dma_start3A_118 = tpu.memref_slice %arg7[%add3A_106, %dma_start3A_117] : memref<10000x128xf32, #tpu.memory_space<vmem_shared>> -> memref<64x128xf32, #tpu.memory_space<vmem_shared>>
        tpu.enqueue_dma source(%arg9 : memref<64x128xf32, #tpu.memory_space<vmem>>) target(%dma_start3A_118 : memref<64x128xf32, #tpu.memory_space<vmem_shared>>) target_semaphore(%run_scoped3A : memref<!tpu.dma_semaphore, #tpu.memory_space<semaphore_mem>>)
        %dma_wait3A = arith.constant 0 : i32
        %dma_wait3A_119 = tpu.memref_slice %arg7[%add3A_106, %dma_wait3A] : memref<10000x128xf32, #tpu.memory_space<vmem_shared>> -> memref<64x128xf32, #tpu.memory_space<vmem_shared>>
        %dma_wait3A_120 = arith.constant 0 : i32
        %dma_wait3A_121 = tpu.memref_slice %arg7[%add3A_106, %dma_wait3A_120] : memref<10000x128xf32, #tpu.memory_space<vmem_shared>> -> memref<64x128xf32, #tpu.memory_space<vmem_shared>>
        tpu.wait_dma2 semaphore(%run_scoped3A : memref<!tpu.dma_semaphore, #tpu.memory_space<semaphore_mem>>) src(%arg9 : memref<64x128xf32, #tpu.memory_space<vmem>>) dst(%dma_wait3A_121 : memref<64x128xf32, #tpu.memory_space<vmem_shared>>)
        tpu.yield
      }) : () -> ()
      %add3A_107 = arith.constant 192 : i32
      %add3A_108 = arith.addi %mul3A_43, %add3A_107 : i32
      "tpu.region"() ({
        %run_scoped3A = tpu.sem_alloc : memref<!tpu.dma_semaphore, #tpu.memory_space<semaphore_mem>>
        %dma_start3A = arith.constant 0 : i32
        %dma_start3A_116 = tpu.memref_slice %arg7[%add3A_108, %dma_start3A] : memref<10000x128xf32, #tpu.memory_space<vmem_shared>> -> memref<64x128xf32, #tpu.memory_space<vmem_shared>>
        %dma_start3A_117 = arith.constant 0 : i32
        %dma_start3A_118 = tpu.memref_slice %arg7[%add3A_108, %dma_start3A_117] : memref<10000x128xf32, #tpu.memory_space<vmem_shared>> -> memref<64x128xf32, #tpu.memory_space<vmem_shared>>
        tpu.enqueue_dma source(%arg9 : memref<64x128xf32, #tpu.memory_space<vmem>>) target(%dma_start3A_118 : memref<64x128xf32, #tpu.memory_space<vmem_shared>>) target_semaphore(%run_scoped3A : memref<!tpu.dma_semaphore, #tpu.memory_space<semaphore_mem>>)
        %dma_wait3A = arith.constant 0 : i32
        %dma_wait3A_119 = tpu.memref_slice %arg7[%add3A_108, %dma_wait3A] : memref<10000x128xf32, #tpu.memory_space<vmem_shared>> -> memref<64x128xf32, #tpu.memory_space<vmem_shared>>
        %dma_wait3A_120 = arith.constant 0 : i32
        %dma_wait3A_121 = tpu.memref_slice %arg7[%add3A_108, %dma_wait3A_120] : memref<10000x128xf32, #tpu.memory_space<vmem_shared>> -> memref<64x128xf32, #tpu.memory_space<vmem_shared>>
        tpu.wait_dma2 semaphore(%run_scoped3A : memref<!tpu.dma_semaphore, #tpu.memory_space<semaphore_mem>>) src(%arg9 : memref<64x128xf32, #tpu.memory_space<vmem>>) dst(%dma_wait3A_121 : memref<64x128xf32, #tpu.memory_space<vmem_shared>>)
        tpu.yield
      }) : () -> ()
      %add3A_109 = arith.constant 256 : i32
      %add3A_110 = arith.addi %mul3A_43, %add3A_109 : i32
      "tpu.region"() ({
        %run_scoped3A = tpu.sem_alloc : memref<!tpu.dma_semaphore, #tpu.memory_space<semaphore_mem>>
        %dma_start3A = arith.constant 0 : i32
        %dma_start3A_116 = tpu.memref_slice %arg7[%add3A_110, %dma_start3A] : memref<10000x128xf32, #tpu.memory_space<vmem_shared>> -> memref<64x128xf32, #tpu.memory_space<vmem_shared>>
        %dma_start3A_117 = arith.constant 0 : i32
        %dma_start3A_118 = tpu.memref_slice %arg7[%add3A_110, %dma_start3A_117] : memref<10000x128xf32, #tpu.memory_space<vmem_shared>> -> memref<64x128xf32, #tpu.memory_space<vmem_shared>>
        tpu.enqueue_dma source(%arg9 : memref<64x128xf32, #tpu.memory_space<vmem>>) target(%dma_start3A_118 : memref<64x128xf32, #tpu.memory_space<vmem_shared>>) target_semaphore(%run_scoped3A : memref<!tpu.dma_semaphore, #tpu.memory_space<semaphore_mem>>)
        %dma_wait3A = arith.constant 0 : i32
        %dma_wait3A_119 = tpu.memref_slice %arg7[%add3A_110, %dma_wait3A] : memref<10000x128xf32, #tpu.memory_space<vmem_shared>> -> memref<64x128xf32, #tpu.memory_space<vmem_shared>>
        %dma_wait3A_120 = arith.constant 0 : i32
        %dma_wait3A_121 = tpu.memref_slice %arg7[%add3A_110, %dma_wait3A_120] : memref<10000x128xf32, #tpu.memory_space<vmem_shared>> -> memref<64x128xf32, #tpu.memory_space<vmem_shared>>
        tpu.wait_dma2 semaphore(%run_scoped3A : memref<!tpu.dma_semaphore, #tpu.memory_space<semaphore_mem>>) src(%arg9 : memref<64x128xf32, #tpu.memory_space<vmem>>) dst(%dma_wait3A_121 : memref<64x128xf32, #tpu.memory_space<vmem_shared>>)
        tpu.yield
      }) : () -> ()
      %add3A_111 = arith.constant 320 : i32
      %add3A_112 = arith.addi %mul3A_43, %add3A_111 : i32
      "tpu.region"() ({
        %run_scoped3A = tpu.sem_alloc : memref<!tpu.dma_semaphore, #tpu.memory_space<semaphore_mem>>
        %dma_start3A = arith.constant 0 : i32
        %dma_start3A_116 = tpu.memref_slice %arg7[%add3A_112, %dma_start3A] : memref<10000x128xf32, #tpu.memory_space<vmem_shared>> -> memref<64x128xf32, #tpu.memory_space<vmem_shared>>
        %dma_start3A_117 = arith.constant 0 : i32
        %dma_start3A_118 = tpu.memref_slice %arg7[%add3A_112, %dma_start3A_117] : memref<10000x128xf32, #tpu.memory_space<vmem_shared>> -> memref<64x128xf32, #tpu.memory_space<vmem_shared>>
        tpu.enqueue_dma source(%arg9 : memref<64x128xf32, #tpu.memory_space<vmem>>) target(%dma_start3A_118 : memref<64x128xf32, #tpu.memory_space<vmem_shared>>) target_semaphore(%run_scoped3A : memref<!tpu.dma_semaphore, #tpu.memory_space<semaphore_mem>>)
        %dma_wait3A = arith.constant 0 : i32
        %dma_wait3A_119 = tpu.memref_slice %arg7[%add3A_112, %dma_wait3A] : memref<10000x128xf32, #tpu.memory_space<vmem_shared>> -> memref<64x128xf32, #tpu.memory_space<vmem_shared>>
        %dma_wait3A_120 = arith.constant 0 : i32
        %dma_wait3A_121 = tpu.memref_slice %arg7[%add3A_112, %dma_wait3A_120] : memref<10000x128xf32, #tpu.memory_space<vmem_shared>> -> memref<64x128xf32, #tpu.memory_space<vmem_shared>>
        tpu.wait_dma2 semaphore(%run_scoped3A : memref<!tpu.dma_semaphore, #tpu.memory_space<semaphore_mem>>) src(%arg9 : memref<64x128xf32, #tpu.memory_space<vmem>>) dst(%dma_wait3A_121 : memref<64x128xf32, #tpu.memory_space<vmem_shared>>)
        tpu.yield
      }) : () -> ()
      %add3A_113 = arith.constant 400 : i32
      %add3A_114 = arith.addi %mul3A_43, %add3A_113 : i32
      %sub3A = arith.constant 16 : i32
      %sub3A_115 = arith.subi %add3A_114, %sub3A : i32
      "tpu.region"() ({
        %run_scoped3A = tpu.sem_alloc : memref<!tpu.dma_semaphore, #tpu.memory_space<semaphore_mem>>
        %dma_start3A = arith.constant 0 : i32
        %dma_start3A_116 = arith.constant 0 : i32
        %dma_start3A_117 = tpu.memref_slice %arg9[%dma_start3A, %dma_start3A_116] : memref<64x128xf32, #tpu.memory_space<vmem>> -> memref<16x128xf32, #tpu.memory_space<vmem>>
        %dma_start3A_118 = arith.constant 0 : i32
        %dma_start3A_119 = tpu.memref_slice %arg7[%sub3A_115, %dma_start3A_118] : memref<10000x128xf32, #tpu.memory_space<vmem_shared>> -> memref<16x128xf32, #tpu.memory_space<vmem_shared>>
        %dma_start3A_120 = arith.constant 0 : i32
        %dma_start3A_121 = tpu.memref_slice %arg7[%sub3A_115, %dma_start3A_120] : memref<10000x128xf32, #tpu.memory_space<vmem_shared>> -> memref<16x128xf32, #tpu.memory_space<vmem_shared>>
        %dma_start3A_122 = arith.constant 0 : i32
        %dma_start3A_123 = arith.constant 0 : i32
        %dma_start3A_124 = tpu.memref_slice %arg9[%dma_start3A_122, %dma_start3A_123] : memref<64x128xf32, #tpu.memory_space<vmem>> -> memref<16x128xf32, #tpu.memory_space<vmem>>
        tpu.enqueue_dma source(%dma_start3A_124 : memref<16x128xf32, #tpu.memory_space<vmem>>) target(%dma_start3A_121 : memref<16x128xf32, #tpu.memory_space<vmem_shared>>) target_semaphore(%run_scoped3A : memref<!tpu.dma_semaphore, #tpu.memory_space<semaphore_mem>>)
        %dma_wait3A = arith.constant 0 : i32
        %dma_wait3A_125 = arith.constant 0 : i32
        %dma_wait3A_126 = tpu.memref_slice %arg9[%dma_wait3A, %dma_wait3A_125] : memref<64x128xf32, #tpu.memory_space<vmem>> -> memref<16x128xf32, #tpu.memory_space<vmem>>
        %dma_wait3A_127 = arith.constant 0 : i32
        %dma_wait3A_128 = tpu.memref_slice %arg7[%sub3A_115, %dma_wait3A_127] : memref<10000x128xf32, #tpu.memory_space<vmem_shared>> -> memref<16x128xf32, #tpu.memory_space<vmem_shared>>
        %dma_wait3A_129 = arith.constant 0 : i32
        %dma_wait3A_130 = tpu.memref_slice %arg7[%sub3A_115, %dma_wait3A_129] : memref<10000x128xf32, #tpu.memory_space<vmem_shared>> -> memref<16x128xf32, #tpu.memory_space<vmem_shared>>
        %dma_wait3A_131 = arith.constant 0 : i32
        %dma_wait3A_132 = arith.constant 0 : i32
        %dma_wait3A_133 = tpu.memref_slice %arg9[%dma_wait3A_131, %dma_wait3A_132] : memref<64x128xf32, #tpu.memory_space<vmem>> -> memref<16x128xf32, #tpu.memory_space<vmem>>
        tpu.wait_dma2 semaphore(%run_scoped3A : memref<!tpu.dma_semaphore, #tpu.memory_space<semaphore_mem>>) src(%dma_wait3A_133 : memref<16x128xf32, #tpu.memory_space<vmem>>) dst(%dma_wait3A_130 : memref<16x128xf32, #tpu.memory_space<vmem_shared>>)
        tpu.yield
      }) : () -> ()
      "tpu.region"() ({
        %run_scoped3A = tpu.sem_alloc : memref<!tpu.dma_semaphore, #tpu.memory_space<semaphore_mem>>
        %dma_start3A = arith.constant 0 : i32
        %dma_start3A_116 = tpu.memref_slice %arg10[%dma_start3A] : memref<640xf32, #tpu.memory_space<vmem>> -> memref<400xf32, #tpu.memory_space<vmem>>
        %dma_start3A_117 = tpu.memref_slice %arg8[%mul3A_43] : memref<10000xf32, #tpu.memory_space<vmem_shared>> -> memref<400xf32, #tpu.memory_space<vmem_shared>>
        %dma_start3A_118 = tpu.memref_slice %arg8[%mul3A_43] : memref<10000xf32, #tpu.memory_space<vmem_shared>> -> memref<400xf32, #tpu.memory_space<vmem_shared>>
        %dma_start3A_119 = arith.constant 0 : i32
        %dma_start3A_120 = tpu.memref_slice %arg10[%dma_start3A_119] : memref<640xf32, #tpu.memory_space<vmem>> -> memref<400xf32, #tpu.memory_space<vmem>>
        tpu.enqueue_dma source(%dma_start3A_120 : memref<400xf32, #tpu.memory_space<vmem>>) target(%dma_start3A_118 : memref<400xf32, #tpu.memory_space<vmem_shared>>) target_semaphore(%run_scoped3A : memref<!tpu.dma_semaphore, #tpu.memory_space<semaphore_mem>>)
        %dma_wait3A = arith.constant 0 : i32
        %dma_wait3A_121 = tpu.memref_slice %arg10[%dma_wait3A] : memref<640xf32, #tpu.memory_space<vmem>> -> memref<400xf32, #tpu.memory_space<vmem>>
        %dma_wait3A_122 = tpu.memref_slice %arg8[%mul3A_43] : memref<10000xf32, #tpu.memory_space<vmem_shared>> -> memref<400xf32, #tpu.memory_space<vmem_shared>>
        %dma_wait3A_123 = tpu.memref_slice %arg8[%mul3A_43] : memref<10000xf32, #tpu.memory_space<vmem_shared>> -> memref<400xf32, #tpu.memory_space<vmem_shared>>
        %dma_wait3A_124 = arith.constant 0 : i32
        %dma_wait3A_125 = tpu.memref_slice %arg10[%dma_wait3A_124] : memref<640xf32, #tpu.memory_space<vmem>> -> memref<400xf32, #tpu.memory_space<vmem>>
        tpu.wait_dma2 semaphore(%run_scoped3A : memref<!tpu.dma_semaphore, #tpu.memory_space<semaphore_mem>>) src(%dma_wait3A_125 : memref<400xf32, #tpu.memory_space<vmem>>) dst(%dma_wait3A_123 : memref<400xf32, #tpu.memory_space<vmem_shared>>)
        tpu.yield
      }) : () -> ()
    } else {
    }
    %barrier3A = arith.constant 0 : index
    tpu.barrier barrier_id(%barrier3A)
    %mul3A_50 = arith.constant 1 : i32
    %mul3A_51 = arith.muli %arg1, %mul3A_50 : i32
    %add3A = arith.constant 0 : i32
    %add3A_52 = arith.addi %add3A, %mul3A_51 : i32
    %mul3A_53 = arith.constant 16 : i32
    %mul3A_54 = arith.muli %arg0, %mul3A_53 : i32
    %add3A_55 = arith.addi %add3A_52, %mul3A_54 : i32
    %lt3A_56 = arith.constant 4 : i32
    %lt3A_57 = arith.cmpi slt, %add3A_55, %lt3A_56 : i32
    %jit3A = arith.constant 79 : i32
    %jit3A_58 = arith.constant 78 : i32
    %select_n3A = arith.select %lt3A_57, %jit3A, %jit3A_58 : i32
    %lt3A_59 = arith.constant 4 : i32
    %lt3A_60 = arith.cmpi slt, %add3A_55, %lt3A_59 : i32
    %mul3A_61 = arith.muli %add3A_55, %select_n3A : i32
    %mul3A_62 = arith.constant 78 : i32
    %mul3A_63 = arith.muli %add3A_55, %mul3A_62 : i32
    %add3A_64 = arith.constant 4 : i32
    %add3A_65 = arith.addi %mul3A_63, %add3A_64 : i32
    %select_n3A_66 = arith.select %lt3A_60, %mul3A_61, %add3A_65 : i32
    %mul3A_67 = arith.constant 1 : i32
    %mul3A_68 = arith.muli %mul3A_67, %select_n3A : i32
    "tpu.region"() ({
      %run_scoped3A = memref.alloca() : memref<2x128x128xf32, #tpu.memory_space<vmem>>
      %run_scoped3A_101 = tpu.sem_alloc : memref<2x!tpu.dma_semaphore, #tpu.memory_space<semaphore_mem>>
      %run_scoped3A_102 = memref.alloca() : memref<2x1x128xi32, #tpu.memory_space<vmem>>
      %run_scoped3A_103 = tpu.sem_alloc : memref<2x!tpu.dma_semaphore, #tpu.memory_space<semaphore_mem>>
      %gt3A = arith.constant 0 : i32
      %gt3A_104 = arith.cmpi sgt, %mul3A_68, %gt3A : i32
      %convert_element_type3A_105 = arith.extui %gt3A_104 : i1 to i32
      %cond3A_106 = arith.constant 0 : i32
      %cond3A_107 = arith.cmpi ne, %convert_element_type3A_105, %cond3A_106 : i32
      scf.if %cond3A_107 {
        %mul3A_108 = arith.constant 1 : i32
        %mul3A_109 = arith.muli %mul3A_108, %select_n3A : i32
        %sub3A = arith.constant 1 : i32
        %sub3A_110 = arith.subi %mul3A_109, %sub3A : i32
        %eq3A_111 = arith.constant 0 : i32
        %eq3A_112 = arith.cmpi eq, %sub3A_110, %eq3A_111 : i32
        %add3A_113 = arith.constant 0 : i32
        %add3A_114 = arith.addi %add3A_113, %select_n3A_66 : i32
        %select_n3A_115 = arith.constant true
        %select_n3A_116 = arith.constant 0 : i32
        %select_n3A_117 = arith.constant -1 : i32
        %select_n3A_118 = arith.select %select_n3A_115, %select_n3A_117, %select_n3A_116 : i32
        %eq3A_119 = arith.constant -1 : i32
        %eq3A_120 = arith.cmpi eq, %select_n3A_118, %eq3A_119 : i32
        %sub3A_121 = arith.constant 1 : i32
        %sub3A_122 = arith.subi %select_n3A, %sub3A_121 : i32
        %select_n3A_123 = arith.select %eq3A_120, %sub3A_122, %select_n3A_118 : i32
        %add3A_124 = arith.addi %select_n3A_123, %select_n3A_66 : i32
        %select_n3A_125 = arith.constant true
        %select_n3A_126 = arith.constant 0 : i32
        %select_n3A_127 = arith.constant 1 : i32
        %select_n3A_128 = arith.select %select_n3A_125, %select_n3A_127, %select_n3A_126 : i32
        %eq3A_129 = arith.cmpi eq, %select_n3A_128, %select_n3A : i32
        %select_n3A_130 = arith.constant 0 : i32
        %select_n3A_131 = arith.select %eq3A_129, %select_n3A_130, %select_n3A_128 : i32
        %add3A_132 = arith.addi %select_n3A_131, %select_n3A_66 : i32
        %add3A_133 = arith.constant 1 : i32
        %add3A_134 = arith.addi %select_n3A_131, %add3A_133 : i32
        %select_n3A_135 = arith.constant true
        %select_n3A_136 = arith.select %select_n3A_135, %add3A_134, %select_n3A_131 : i32
        %eq3A_137 = arith.cmpi eq, %select_n3A_136, %select_n3A : i32
        %select_n3A_138 = arith.constant 0 : i32
        %select_n3A_139 = arith.select %eq3A_137, %select_n3A_138, %select_n3A_136 : i32
        %add3A_140 = arith.addi %select_n3A_139, %select_n3A_66 : i32
        %rem3A = arith.constant 0 : i32
        %rem3A_141 = arith.constant 2 : i32
        %rem3A_142 = arith.remui %rem3A, %rem3A_141 : i32
        %mul3A_143 = arith.constant 128 : i32
        %mul3A_144 = arith.muli %mul3A_143, %add3A_114 : i32
        %dma_start3A = arith.constant 0 : i32
        %dma_start3A_145 = arith.constant 0 : i32
        %dma_start3A_146 = tpu.memref_slice %run_scoped3A[%rem3A_142, %dma_start3A, %dma_start3A_145] : memref<2x128x128xf32, #tpu.memory_space<vmem>> -> memref<1x128x128xf32, #tpu.memory_space<vmem>>
        %dma_start3A_147 = tpu.memref_squeeze %dma_start3A_146 : memref<1x128x128xf32, #tpu.memory_space<vmem>> -> memref<128x128xf32, #tpu.memory_space<vmem>>
        %dma_start3A_148 = arith.constant 0 : i32
        %dma_start3A_149 = tpu.memref_slice %arg2[%mul3A_144, %dma_start3A_148] : memref<320000x128xf32, #tpu.memory_space<hbm>> -> memref<128x128xf32, #tpu.memory_space<hbm>>
        %dma_start3A_150 = tpu.memref_slice %run_scoped3A_101[%rem3A_142] : memref<2x!tpu.dma_semaphore, #tpu.memory_space<semaphore_mem>> -> memref<1x!tpu.dma_semaphore, #tpu.memory_space<semaphore_mem>>
        %dma_start3A_151 = tpu.memref_squeeze %dma_start3A_150 : memref<1x!tpu.dma_semaphore, #tpu.memory_space<semaphore_mem>> -> memref<!tpu.dma_semaphore, #tpu.memory_space<semaphore_mem>>
        %dma_start3A_152 = arith.constant 0 : i32
        %dma_start3A_153 = arith.constant 0 : i32
        %dma_start3A_154 = tpu.memref_slice %run_scoped3A[%rem3A_142, %dma_start3A_152, %dma_start3A_153] : memref<2x128x128xf32, #tpu.memory_space<vmem>> -> memref<1x128x128xf32, #tpu.memory_space<vmem>>
        %dma_start3A_155 = tpu.memref_squeeze %dma_start3A_154 : memref<1x128x128xf32, #tpu.memory_space<vmem>> -> memref<128x128xf32, #tpu.memory_space<vmem>>
        %dma_start3A_156 = arith.constant 0 : i32
        %dma_start3A_157 = tpu.memref_slice %arg2[%mul3A_144, %dma_start3A_156] : memref<320000x128xf32, #tpu.memory_space<hbm>> -> memref<128x128xf32, #tpu.memory_space<hbm>>
        tpu.enqueue_dma source(%dma_start3A_157 : memref<128x128xf32, #tpu.memory_space<hbm>>) target(%dma_start3A_155 : memref<128x128xf32, #tpu.memory_space<vmem>>) target_semaphore(%dma_start3A_151 : memref<!tpu.dma_semaphore, #tpu.memory_space<semaphore_mem>>)
        %add3A_158 = arith.constant 0 : i32
        %add3A_159 = arith.constant 1 : i32
        %add3A_160 = arith.addi %add3A_158, %add3A_159 : i32
        %select_n3A_161 = arith.constant true
        %select_n3A_162 = arith.constant 0 : i32
        %select_n3A_163 = arith.select %select_n3A_161, %add3A_160, %select_n3A_162 : i32
        %rem3A_164 = arith.constant 0 : i32
        %rem3A_165 = arith.constant 2 : i32
        %rem3A_166 = arith.remui %rem3A_164, %rem3A_165 : i32
        %mul3A_167 = arith.constant 1 : i32
        %mul3A_168 = arith.muli %mul3A_167, %add3A_114 : i32
        %dma_start3A_169 = arith.constant 0 : i32
        %dma_start3A_170 = arith.constant 0 : i32
        %dma_start3A_171 = tpu.memref_slice %run_scoped3A_102[%rem3A_166, %dma_start3A_169, %dma_start3A_170] : memref<2x1x128xi32, #tpu.memory_space<vmem>> -> memref<1x1x128xi32, #tpu.memory_space<vmem>>
        %dma_start3A_172 = tpu.memref_squeeze %dma_start3A_171 : memref<1x1x128xi32, #tpu.memory_space<vmem>> -> memref<1x128xi32, #tpu.memory_space<vmem>>
        %dma_start3A_173 = arith.constant 0 : i32
        %dma_start3A_174 = tpu.memref_slice %arg3[%mul3A_168, %dma_start3A_173] : memref<2500x128xi32, #tpu.memory_space<hbm>> -> memref<1x128xi32, #tpu.memory_space<hbm>>
        %dma_start3A_175 = tpu.memref_slice %run_scoped3A_103[%rem3A_166] : memref<2x!tpu.dma_semaphore, #tpu.memory_space<semaphore_mem>> -> memref<1x!tpu.dma_semaphore, #tpu.memory_space<semaphore_mem>>
        %dma_start3A_176 = tpu.memref_squeeze %dma_start3A_175 : memref<1x!tpu.dma_semaphore, #tpu.memory_space<semaphore_mem>> -> memref<!tpu.dma_semaphore, #tpu.memory_space<semaphore_mem>>
        %dma_start3A_177 = arith.constant 0 : i32
        %dma_start3A_178 = arith.constant 0 : i32
        %dma_start3A_179 = tpu.memref_slice %run_scoped3A_102[%rem3A_166, %dma_start3A_177, %dma_start3A_178] : memref<2x1x128xi32, #tpu.memory_space<vmem>> -> memref<1x1x128xi32, #tpu.memory_space<vmem>>
        %dma_start3A_180 = tpu.memref_squeeze %dma_start3A_179 : memref<1x1x128xi32, #tpu.memory_space<vmem>> -> memref<1x128xi32, #tpu.memory_space<vmem>>
        %dma_start3A_181 = arith.constant 0 : i32
        %dma_start3A_182 = tpu.memref_slice %arg3[%mul3A_168, %dma_start3A_181] : memref<2500x128xi32, #tpu.memory_space<hbm>> -> memref<1x128xi32, #tpu.memory_space<hbm>>
        tpu.enqueue_dma source(%dma_start3A_182 : memref<1x128xi32, #tpu.memory_space<hbm>>) target(%dma_start3A_180 : memref<1x128xi32, #tpu.memory_space<vmem>>) target_semaphore(%dma_start3A_176 : memref<!tpu.dma_semaphore, #tpu.memory_space<semaphore_mem>>)
        %add3A_183 = arith.constant 0 : i32
        %add3A_184 = arith.constant 1 : i32
        %add3A_185 = arith.addi %add3A_183, %add3A_184 : i32
        %select_n3A_186 = arith.constant true
        %select_n3A_187 = arith.constant 0 : i32
        %select_n3A_188 = arith.select %select_n3A_186, %add3A_185, %select_n3A_187 : i32
        %while3A = arith.constant 0 : i32
        %while3A_189 = arith.constant 0 : i32
        %while3A_190 = arith.constant 0 : i32
        %while3A_191 = arith.constant 0 : i32
        %while3A_192 = arith.subi %mul3A_68, %while3A : i32
        %while3A_193 = arith.addi %while3A, %while3A_192 : i32
        %while3A_194 = arith.constant 1 : i32
        %while3A_195 = arith.divsi %while3A_192, %while3A_194 : i32
        %while3A_196 = arith.muli %while3A_195, %while3A_194 : i32
        %while3A_197 = arith.addi %while3A, %while3A_196 : i32
        %while3A_198 = arith.constant 1 : i32
        %while3A_199:5 = scf.for %while3A_253 = %while3A to %while3A_197 step %while3A_198 iter_args(%while3A_254 = %select_n3A_163, %while3A_255 = %while3A_189, %while3A_256 = %select_n3A_188, %while3A_257 = %while3A_190, %while3A_258 = %while3A_191) -> (i32, i32, i32, i32, i32)  : i32 {
          %mul3A_259 = arith.constant 1 : i32
          %mul3A_260 = arith.muli %mul3A_259, %select_n3A : i32
          %eq3A_261 = arith.constant 0 : i32
          %eq3A_262 = arith.cmpi eq, %while3A_253, %eq3A_261 : i32
          %sub3A_263 = arith.constant 1 : i32
          %sub3A_264 = arith.subi %mul3A_260, %sub3A_263 : i32
          %eq3A_265 = arith.cmpi eq, %while3A_253, %sub3A_264 : i32
          %add3A_266 = arith.addi %while3A_258, %select_n3A_66 : i32
          %sub3A_267 = arith.constant 1 : i32
          %sub3A_268 = arith.subi %while3A_258, %sub3A_267 : i32
          %select_n3A_269 = arith.constant true
          %select_n3A_270 = arith.select %select_n3A_269, %sub3A_268, %while3A_258 : i32
          %eq3A_271 = arith.constant -1 : i32
          %eq3A_272 = arith.cmpi eq, %select_n3A_270, %eq3A_271 : i32
          %sub3A_273 = arith.constant 1 : i32
          %sub3A_274 = arith.subi %select_n3A, %sub3A_273 : i32
          %select_n3A_275 = arith.select %eq3A_272, %sub3A_274, %select_n3A_270 : i32
          %add3A_276 = arith.addi %select_n3A_275, %select_n3A_66 : i32
          %add3A_277 = arith.constant 1 : i32
          %add3A_278 = arith.addi %while3A_258, %add3A_277 : i32
          %select_n3A_279 = arith.constant true
          %select_n3A_280 = arith.select %select_n3A_279, %add3A_278, %while3A_258 : i32
          %eq3A_281 = arith.cmpi eq, %select_n3A_280, %select_n3A : i32
          %select_n3A_282 = arith.constant 0 : i32
          %select_n3A_283 = arith.select %eq3A_281, %select_n3A_282, %select_n3A_280 : i32
          %add3A_284 = arith.addi %select_n3A_283, %select_n3A_66 : i32
          %add3A_285 = arith.constant 1 : i32
          %add3A_286 = arith.addi %select_n3A_283, %add3A_285 : i32
          %select_n3A_287 = arith.constant true
          %select_n3A_288 = arith.select %select_n3A_287, %add3A_286, %select_n3A_283 : i32
          %eq3A_289 = arith.cmpi eq, %select_n3A_288, %select_n3A : i32
          %select_n3A_290 = arith.constant 0 : i32
          %select_n3A_291 = arith.select %eq3A_289, %select_n3A_290, %select_n3A_288 : i32
          %add3A_292 = arith.addi %select_n3A_291, %select_n3A_66 : i32
          %ne3A = arith.cmpi ne, %add3A_266, %add3A_284 : i32
          %or3A = arith.constant false
          %or3A_293 = arith.ori %or3A, %ne3A : i1
          %or3A_294 = arith.constant false
          %or3A_295 = arith.ori %or3A_293, %or3A_294 : i1
          %sub3A_296 = arith.constant 2 : i32
          %sub3A_297 = arith.subi %mul3A_260, %sub3A_296 : i32
          %add3A_298 = arith.constant 1 : i32
          %add3A_299 = arith.addi %sub3A_297, %add3A_298 : i32
          %ge3A = arith.cmpi sge, %while3A_253, %add3A_299 : i32
          %not3A = arith.constant true
          %not3A_300 = arith.xori %ge3A, %not3A : i1
          %and3A_301 = arith.andi %or3A_295, %not3A_300 : i1
          %convert_element_type3A_302 = arith.extui %and3A_301 : i1 to i32
          %cond3A_303 = arith.constant 0 : i32
          %cond3A_304 = arith.cmpi ne, %convert_element_type3A_302, %cond3A_303 : i32
          scf.if %cond3A_304 {
            %rem3A_475 = arith.constant 2 : i32
            %rem3A_476 = arith.remui %while3A_254, %rem3A_475 : i32
            %mul3A_477 = arith.constant 128 : i32
            %mul3A_478 = arith.muli %mul3A_477, %add3A_284 : i32
            %dma_start3A_479 = arith.constant 0 : i32
            %dma_start3A_480 = arith.constant 0 : i32
            %dma_start3A_481 = tpu.memref_slice %run_scoped3A[%rem3A_476, %dma_start3A_479, %dma_start3A_480] : memref<2x128x128xf32, #tpu.memory_space<vmem>> -> memref<1x128x128xf32, #tpu.memory_space<vmem>>
            %dma_start3A_482 = tpu.memref_squeeze %dma_start3A_481 : memref<1x128x128xf32, #tpu.memory_space<vmem>> -> memref<128x128xf32, #tpu.memory_space<vmem>>
            %dma_start3A_483 = arith.constant 0 : i32
            %dma_start3A_484 = tpu.memref_slice %arg2[%mul3A_478, %dma_start3A_483] : memref<320000x128xf32, #tpu.memory_space<hbm>> -> memref<128x128xf32, #tpu.memory_space<hbm>>
            %dma_start3A_485 = tpu.memref_slice %run_scoped3A_101[%rem3A_476] : memref<2x!tpu.dma_semaphore, #tpu.memory_space<semaphore_mem>> -> memref<1x!tpu.dma_semaphore, #tpu.memory_space<semaphore_mem>>
            %dma_start3A_486 = tpu.memref_squeeze %dma_start3A_485 : memref<1x!tpu.dma_semaphore, #tpu.memory_space<semaphore_mem>> -> memref<!tpu.dma_semaphore, #tpu.memory_space<semaphore_mem>>
            %dma_start3A_487 = arith.constant 0 : i32
            %dma_start3A_488 = arith.constant 0 : i32
            %dma_start3A_489 = tpu.memref_slice %run_scoped3A[%rem3A_476, %dma_start3A_487, %dma_start3A_488] : memref<2x128x128xf32, #tpu.memory_space<vmem>> -> memref<1x128x128xf32, #tpu.memory_space<vmem>>
            %dma_start3A_490 = tpu.memref_squeeze %dma_start3A_489 : memref<1x128x128xf32, #tpu.memory_space<vmem>> -> memref<128x128xf32, #tpu.memory_space<vmem>>
            %dma_start3A_491 = arith.constant 0 : i32
            %dma_start3A_492 = tpu.memref_slice %arg2[%mul3A_478, %dma_start3A_491] : memref<320000x128xf32, #tpu.memory_space<hbm>> -> memref<128x128xf32, #tpu.memory_space<hbm>>
            tpu.enqueue_dma source(%dma_start3A_492 : memref<128x128xf32, #tpu.memory_space<hbm>>) target(%dma_start3A_490 : memref<128x128xf32, #tpu.memory_space<vmem>>) target_semaphore(%dma_start3A_486 : memref<!tpu.dma_semaphore, #tpu.memory_space<semaphore_mem>>)
          } else {
          }
          %and3A_305 = arith.constant true
          %and3A_306 = arith.andi %and3A_301, %and3A_305 : i1
          %add3A_307 = arith.constant 1 : i32
          %add3A_308 = arith.addi %while3A_254, %add3A_307 : i32
          %select_n3A_309 = arith.select %and3A_306, %add3A_308, %while3A_254 : i32
          %ne3A_310 = arith.cmpi ne, %add3A_266, %add3A_284 : i32
          %or3A_311 = arith.constant false
          %or3A_312 = arith.ori %or3A_311, %ne3A_310 : i1
          %or3A_313 = arith.constant false
          %or3A_314 = arith.ori %or3A_312, %or3A_313 : i1
          %sub3A_315 = arith.constant 2 : i32
          %sub3A_316 = arith.subi %mul3A_260, %sub3A_315 : i32
          %add3A_317 = arith.constant 1 : i32
          %add3A_318 = arith.addi %sub3A_316, %add3A_317 : i32
          %ge3A_319 = arith.cmpi sge, %while3A_253, %add3A_318 : i32
          %not3A_320 = arith.constant true
          %not3A_321 = arith.xori %ge3A_319, %not3A_320 : i1
          %and3A_322 = arith.andi %or3A_314, %not3A_321 : i1
          %convert_element_type3A_323 = arith.extui %and3A_322 : i1 to i32
          %cond3A_324 = arith.constant 0 : i32
          %cond3A_325 = arith.cmpi ne, %convert_element_type3A_323, %cond3A_324 : i32
          scf.if %cond3A_325 {
            %rem3A_475 = arith.constant 2 : i32
            %rem3A_476 = arith.remui %while3A_256, %rem3A_475 : i32
            %mul3A_477 = arith.constant 1 : i32
            %mul3A_478 = arith.muli %mul3A_477, %add3A_284 : i32
            %dma_start3A_479 = arith.constant 0 : i32
            %dma_start3A_480 = arith.constant 0 : i32
            %dma_start3A_481 = tpu.memref_slice %run_scoped3A_102[%rem3A_476, %dma_start3A_479, %dma_start3A_480] : memref<2x1x128xi32, #tpu.memory_space<vmem>> -> memref<1x1x128xi32, #tpu.memory_space<vmem>>
            %dma_start3A_482 = tpu.memref_squeeze %dma_start3A_481 : memref<1x1x128xi32, #tpu.memory_space<vmem>> -> memref<1x128xi32, #tpu.memory_space<vmem>>
            %dma_start3A_483 = arith.constant 0 : i32
            %dma_start3A_484 = tpu.memref_slice %arg3[%mul3A_478, %dma_start3A_483] : memref<2500x128xi32, #tpu.memory_space<hbm>> -> memref<1x128xi32, #tpu.memory_space<hbm>>
            %dma_start3A_485 = tpu.memref_slice %run_scoped3A_103[%rem3A_476] : memref<2x!tpu.dma_semaphore, #tpu.memory_space<semaphore_mem>> -> memref<1x!tpu.dma_semaphore, #tpu.memory_space<semaphore_mem>>
            %dma_start3A_486 = tpu.memref_squeeze %dma_start3A_485 : memref<1x!tpu.dma_semaphore, #tpu.memory_space<semaphore_mem>> -> memref<!tpu.dma_semaphore, #tpu.memory_space<semaphore_mem>>
            %dma_start3A_487 = arith.constant 0 : i32
            %dma_start3A_488 = arith.constant 0 : i32
            %dma_start3A_489 = tpu.memref_slice %run_scoped3A_102[%rem3A_476, %dma_start3A_487, %dma_start3A_488] : memref<2x1x128xi32, #tpu.memory_space<vmem>> -> memref<1x1x128xi32, #tpu.memory_space<vmem>>
            %dma_start3A_490 = tpu.memref_squeeze %dma_start3A_489 : memref<1x1x128xi32, #tpu.memory_space<vmem>> -> memref<1x128xi32, #tpu.memory_space<vmem>>
            %dma_start3A_491 = arith.constant 0 : i32
            %dma_start3A_492 = tpu.memref_slice %arg3[%mul3A_478, %dma_start3A_491] : memref<2500x128xi32, #tpu.memory_space<hbm>> -> memref<1x128xi32, #tpu.memory_space<hbm>>
            tpu.enqueue_dma source(%dma_start3A_492 : memref<1x128xi32, #tpu.memory_space<hbm>>) target(%dma_start3A_490 : memref<1x128xi32, #tpu.memory_space<vmem>>) target_semaphore(%dma_start3A_486 : memref<!tpu.dma_semaphore, #tpu.memory_space<semaphore_mem>>)
          } else {
          }
          %and3A_326 = arith.constant true
          %and3A_327 = arith.andi %and3A_322, %and3A_326 : i1
          %add3A_328 = arith.constant 1 : i32
          %add3A_329 = arith.addi %while3A_256, %add3A_328 : i32
          %select_n3A_330 = arith.select %and3A_327, %add3A_329, %while3A_256 : i32
          %ne3A_331 = arith.cmpi ne, %add3A_266, %add3A_276 : i32
          %or3A_332 = arith.constant false
          %or3A_333 = arith.ori %or3A_332, %ne3A_331 : i1
          %or3A_334 = arith.constant false
          %or3A_335 = arith.ori %or3A_333, %or3A_334 : i1
          %or3A_336 = arith.ori %or3A_335, %eq3A_262 : i1
          %convert_element_type3A_337 = arith.extui %or3A_336 : i1 to i32
          %cond3A_338 = arith.constant 0 : i32
          %cond3A_339 = arith.cmpi ne, %convert_element_type3A_337, %cond3A_338 : i32
          scf.if %cond3A_339 {
            %mul3A_475 = arith.constant 128 : i32
            %mul3A_476 = arith.muli %mul3A_475, %add3A_266 : i32
            %rem3A_477 = arith.constant 2 : i32
            %rem3A_478 = arith.remui %while3A_255, %rem3A_477 : i32
            %dma_wait3A_479 = arith.constant 0 : i32
            %dma_wait3A_480 = arith.constant 0 : i32
            %dma_wait3A_481 = tpu.memref_slice %run_scoped3A[%rem3A_478, %dma_wait3A_479, %dma_wait3A_480] : memref<2x128x128xf32, #tpu.memory_space<vmem>> -> memref<1x128x128xf32, #tpu.memory_space<vmem>>
            %dma_wait3A_482 = tpu.memref_squeeze %dma_wait3A_481 : memref<1x128x128xf32, #tpu.memory_space<vmem>> -> memref<128x128xf32, #tpu.memory_space<vmem>>
            %dma_wait3A_483 = arith.constant 0 : i32
            %dma_wait3A_484 = tpu.memref_slice %arg2[%mul3A_476, %dma_wait3A_483] : memref<320000x128xf32, #tpu.memory_space<hbm>> -> memref<128x128xf32, #tpu.memory_space<hbm>>
            %dma_wait3A_485 = tpu.memref_slice %run_scoped3A_101[%rem3A_478] : memref<2x!tpu.dma_semaphore, #tpu.memory_space<semaphore_mem>> -> memref<1x!tpu.dma_semaphore, #tpu.memory_space<semaphore_mem>>
            %dma_wait3A_486 = tpu.memref_squeeze %dma_wait3A_485 : memref<1x!tpu.dma_semaphore, #tpu.memory_space<semaphore_mem>> -> memref<!tpu.dma_semaphore, #tpu.memory_space<semaphore_mem>>
            %dma_wait3A_487 = arith.constant 0 : i32
            %dma_wait3A_488 = arith.constant 0 : i32
            %dma_wait3A_489 = tpu.memref_slice %run_scoped3A[%rem3A_478, %dma_wait3A_487, %dma_wait3A_488] : memref<2x128x128xf32, #tpu.memory_space<vmem>> -> memref<1x128x128xf32, #tpu.memory_space<vmem>>
            %dma_wait3A_490 = tpu.memref_squeeze %dma_wait3A_489 : memref<1x128x128xf32, #tpu.memory_space<vmem>> -> memref<128x128xf32, #tpu.memory_space<vmem>>
            %dma_wait3A_491 = arith.constant 0 : i32
            %dma_wait3A_492 = tpu.memref_slice %arg2[%mul3A_476, %dma_wait3A_491] : memref<320000x128xf32, #tpu.memory_space<hbm>> -> memref<128x128xf32, #tpu.memory_space<hbm>>
            tpu.wait_dma2 semaphore(%dma_wait3A_486 : memref<!tpu.dma_semaphore, #tpu.memory_space<semaphore_mem>>) src(%dma_wait3A_492 : memref<128x128xf32, #tpu.memory_space<hbm>>) dst(%dma_wait3A_490 : memref<128x128xf32, #tpu.memory_space<vmem>>)
          } else {
          }
          %ne3A_340 = arith.cmpi ne, %add3A_266, %add3A_276 : i32
          %or3A_341 = arith.constant false
          %or3A_342 = arith.ori %or3A_341, %ne3A_340 : i1
          %or3A_343 = arith.constant false
          %or3A_344 = arith.ori %or3A_342, %or3A_343 : i1
          %or3A_345 = arith.ori %or3A_344, %eq3A_262 : i1
          %convert_element_type3A_346 = arith.extui %or3A_345 : i1 to i32
          %cond3A_347 = arith.constant 0 : i32
          %cond3A_348 = arith.cmpi ne, %convert_element_type3A_346, %cond3A_347 : i32
          scf.if %cond3A_348 {
            %mul3A_475 = arith.constant 1 : i32
            %mul3A_476 = arith.muli %mul3A_475, %add3A_266 : i32
            %rem3A_477 = arith.constant 2 : i32
            %rem3A_478 = arith.remui %while3A_257, %rem3A_477 : i32
            %dma_wait3A_479 = arith.constant 0 : i32
            %dma_wait3A_480 = arith.constant 0 : i32
            %dma_wait3A_481 = tpu.memref_slice %run_scoped3A_102[%rem3A_478, %dma_wait3A_479, %dma_wait3A_480] : memref<2x1x128xi32, #tpu.memory_space<vmem>> -> memref<1x1x128xi32, #tpu.memory_space<vmem>>
            %dma_wait3A_482 = tpu.memref_squeeze %dma_wait3A_481 : memref<1x1x128xi32, #tpu.memory_space<vmem>> -> memref<1x128xi32, #tpu.memory_space<vmem>>
            %dma_wait3A_483 = arith.constant 0 : i32
            %dma_wait3A_484 = tpu.memref_slice %arg3[%mul3A_476, %dma_wait3A_483] : memref<2500x128xi32, #tpu.memory_space<hbm>> -> memref<1x128xi32, #tpu.memory_space<hbm>>
            %dma_wait3A_485 = tpu.memref_slice %run_scoped3A_103[%rem3A_478] : memref<2x!tpu.dma_semaphore, #tpu.memory_space<semaphore_mem>> -> memref<1x!tpu.dma_semaphore, #tpu.memory_space<semaphore_mem>>
            %dma_wait3A_486 = tpu.memref_squeeze %dma_wait3A_485 : memref<1x!tpu.dma_semaphore, #tpu.memory_space<semaphore_mem>> -> memref<!tpu.dma_semaphore, #tpu.memory_space<semaphore_mem>>
            %dma_wait3A_487 = arith.constant 0 : i32
            %dma_wait3A_488 = arith.constant 0 : i32
            %dma_wait3A_489 = tpu.memref_slice %run_scoped3A_102[%rem3A_478, %dma_wait3A_487, %dma_wait3A_488] : memref<2x1x128xi32, #tpu.memory_space<vmem>> -> memref<1x1x128xi32, #tpu.memory_space<vmem>>
            %dma_wait3A_490 = tpu.memref_squeeze %dma_wait3A_489 : memref<1x1x128xi32, #tpu.memory_space<vmem>> -> memref<1x128xi32, #tpu.memory_space<vmem>>
            %dma_wait3A_491 = arith.constant 0 : i32
            %dma_wait3A_492 = tpu.memref_slice %arg3[%mul3A_476, %dma_wait3A_491] : memref<2500x128xi32, #tpu.memory_space<hbm>> -> memref<1x128xi32, #tpu.memory_space<hbm>>
            tpu.wait_dma2 semaphore(%dma_wait3A_486 : memref<!tpu.dma_semaphore, #tpu.memory_space<semaphore_mem>>) src(%dma_wait3A_492 : memref<1x128xi32, #tpu.memory_space<hbm>>) dst(%dma_wait3A_490 : memref<1x128xi32, #tpu.memory_space<vmem>>)
          } else {
          }
          %rem3A_349 = arith.constant 2 : i32
          %rem3A_350 = arith.remui %while3A_255, %rem3A_349 : i32
          %rem3A_351 = arith.constant 2 : i32
          %rem3A_352 = arith.remui %while3A_257, %rem3A_351 : i32
          %dma_start3A_353 = arith.constant 0 : i32
          %dma_start3A_354 = arith.constant 0 : i32
          %dma_start3A_355 = arith.constant 0 : i32
          %dma_start3A_356 = tpu.memref_slice %run_scoped3A[%rem3A_350, %dma_start3A_354, %dma_start3A_355] : memref<2x128x128xf32, #tpu.memory_space<vmem>> -> memref<1x128x128xf32, #tpu.memory_space<vmem>>
          %dma_start3A_357 = tpu.memref_squeeze %dma_start3A_356 : memref<1x128x128xf32, #tpu.memory_space<vmem>> -> memref<128x128xf32, #tpu.memory_space<vmem>>
          %dma_start3A_358 = arith.constant 0 : i32
          %dma_start3A_359 = arith.constant 0 : i32
          %dma_start3A_360 = tpu.memref_slice %run_scoped3A_102[%rem3A_352, %dma_start3A_358, %dma_start3A_359] : memref<2x1x128xi32, #tpu.memory_space<vmem>> -> memref<1x1x128xi32, #tpu.memory_space<vmem>>
          %dma_start3A_361 = tpu.memref_squeeze %dma_start3A_360 : memref<1x1x128xi32, #tpu.memory_space<vmem>> -> memref<1x128xi32, #tpu.memory_space<vmem>>
          %dma_start3A_362 = arith.constant 0 : i32
          %dma_start3A_363 = tpu.memref_slice %dma_start3A_361[%dma_start3A_353, %dma_start3A_362] : memref<1x128xi32, #tpu.memory_space<vmem>> -> memref<1x128xi32, #tpu.memory_space<vmem>>
          %dma_start3A_364 = tpu.memref_squeeze %dma_start3A_363 : memref<1x128xi32, #tpu.memory_space<vmem>> -> memref<128xi32, #tpu.memory_space<vmem>>
          %dma_start3A_365 = arith.constant 0 : i32
          %dma_start3A_366 = arith.constant 0 : i32
          %dma_start3A_367 = tpu.memref_slice %arg7[%dma_start3A_365, %dma_start3A_366] : memref<10000x128xf32, #tpu.memory_space<vmem_shared>> -> memref<10000x128xf32, #tpu.memory_space<vmem_shared>>
          tpu.enqueue_indirect_dma source(%dma_start3A_357 : memref<128x128xf32, #tpu.memory_space<vmem>>) target(%dma_start3A_367 : memref<10000x128xf32, #tpu.memory_space<vmem_shared>>) offsets(%dma_start3A_364 : memref<128xi32, #tpu.memory_space<vmem>>) semaphore(%arg12 : memref<!tpu.dma_semaphore, #tpu.memory_space<semaphore_mem>>) {add = true}
          %dma_start3A_368 = arith.constant 0 : i32
          %dma_start3A_369 = arith.constant 0 : i32
          %dma_start3A_370 = arith.constant 0 : i32
          %dma_start3A_371 = tpu.memref_slice %run_scoped3A_102[%rem3A_352, %dma_start3A_369, %dma_start3A_370] : memref<2x1x128xi32, #tpu.memory_space<vmem>> -> memref<1x1x128xi32, #tpu.memory_space<vmem>>
          %dma_start3A_372 = tpu.memref_squeeze %dma_start3A_371 : memref<1x1x128xi32, #tpu.memory_space<vmem>> -> memref<1x128xi32, #tpu.memory_space<vmem>>
          %dma_start3A_373 = arith.constant 0 : i32
          %dma_start3A_374 = tpu.memref_slice %dma_start3A_372[%dma_start3A_368, %dma_start3A_373] : memref<1x128xi32, #tpu.memory_space<vmem>> -> memref<1x128xi32, #tpu.memory_space<vmem>>
          %dma_start3A_375 = tpu.memref_squeeze %dma_start3A_374 : memref<1x128xi32, #tpu.memory_space<vmem>> -> memref<128xi32, #tpu.memory_space<vmem>>
          %dma_start3A_376 = arith.constant 0 : i32
          %dma_start3A_377 = tpu.memref_slice %arg8[%dma_start3A_376] : memref<10000xf32, #tpu.memory_space<vmem_shared>> -> memref<10000xf32, #tpu.memory_space<vmem_shared>>
          tpu.enqueue_indirect_dma source(%arg11 : memref<128xf32, #tpu.memory_space<vmem>>) target(%dma_start3A_377 : memref<10000xf32, #tpu.memory_space<vmem_shared>>) offsets(%dma_start3A_375 : memref<128xi32, #tpu.memory_space<vmem>>) semaphore(%arg12 : memref<!tpu.dma_semaphore, #tpu.memory_space<semaphore_mem>>) {add = true}
          %dma_wait3A = arith.constant 0 : i32
          %dma_wait3A_378 = arith.constant 0 : i32
          %dma_wait3A_379 = arith.constant 0 : i32
          %dma_wait3A_380 = tpu.memref_slice %run_scoped3A[%rem3A_350, %dma_wait3A_378, %dma_wait3A_379] : memref<2x128x128xf32, #tpu.memory_space<vmem>> -> memref<1x128x128xf32, #tpu.memory_space<vmem>>
          %dma_wait3A_381 = tpu.memref_squeeze %dma_wait3A_380 : memref<1x128x128xf32, #tpu.memory_space<vmem>> -> memref<128x128xf32, #tpu.memory_space<vmem>>
          %dma_wait3A_382 = arith.constant 0 : i32
          %dma_wait3A_383 = arith.constant 0 : i32
          %dma_wait3A_384 = tpu.memref_slice %run_scoped3A_102[%rem3A_352, %dma_wait3A_382, %dma_wait3A_383] : memref<2x1x128xi32, #tpu.memory_space<vmem>> -> memref<1x1x128xi32, #tpu.memory_space<vmem>>
          %dma_wait3A_385 = tpu.memref_squeeze %dma_wait3A_384 : memref<1x1x128xi32, #tpu.memory_space<vmem>> -> memref<1x128xi32, #tpu.memory_space<vmem>>
          %dma_wait3A_386 = arith.constant 0 : i32
          %dma_wait3A_387 = tpu.memref_slice %dma_wait3A_385[%dma_wait3A, %dma_wait3A_386] : memref<1x128xi32, #tpu.memory_space<vmem>> -> memref<1x128xi32, #tpu.memory_space<vmem>>
          %dma_wait3A_388 = tpu.memref_squeeze %dma_wait3A_387 : memref<1x128xi32, #tpu.memory_space<vmem>> -> memref<128xi32, #tpu.memory_space<vmem>>
          %dma_wait3A_389 = arith.constant 0 : i32
          %dma_wait3A_390 = arith.constant 0 : i32
          %dma_wait3A_391 = tpu.memref_slice %arg7[%dma_wait3A_389, %dma_wait3A_390] : memref<10000x128xf32, #tpu.memory_space<vmem_shared>> -> memref<10000x128xf32, #tpu.memory_space<vmem_shared>>
          tpu.wait_indirect_dma semaphore(%arg12 : memref<!tpu.dma_semaphore, #tpu.memory_space<semaphore_mem>>) src(%dma_wait3A_381 : memref<128x128xf32, #tpu.memory_space<vmem>>) dst(%dma_wait3A_391 : memref<10000x128xf32, #tpu.memory_space<vmem_shared>>)
          %dma_wait3A_392 = arith.constant 0 : i32
          %dma_wait3A_393 = arith.constant 0 : i32
          %dma_wait3A_394 = arith.constant 0 : i32
          %dma_wait3A_395 = tpu.memref_slice %run_scoped3A_102[%rem3A_352, %dma_wait3A_393, %dma_wait3A_394] : memref<2x1x128xi32, #tpu.memory_space<vmem>> -> memref<1x1x128xi32, #tpu.memory_space<vmem>>
          %dma_wait3A_396 = tpu.memref_squeeze %dma_wait3A_395 : memref<1x1x128xi32, #tpu.memory_space<vmem>> -> memref<1x128xi32, #tpu.memory_space<vmem>>
          %dma_wait3A_397 = arith.constant 0 : i32
          %dma_wait3A_398 = tpu.memref_slice %dma_wait3A_396[%dma_wait3A_392, %dma_wait3A_397] : memref<1x128xi32, #tpu.memory_space<vmem>> -> memref<1x128xi32, #tpu.memory_space<vmem>>
          %dma_wait3A_399 = tpu.memref_squeeze %dma_wait3A_398 : memref<1x128xi32, #tpu.memory_space<vmem>> -> memref<128xi32, #tpu.memory_space<vmem>>
          %dma_wait3A_400 = arith.constant 0 : i32
          %dma_wait3A_401 = tpu.memref_slice %arg8[%dma_wait3A_400] : memref<10000xf32, #tpu.memory_space<vmem_shared>> -> memref<10000xf32, #tpu.memory_space<vmem_shared>>
          tpu.wait_indirect_dma semaphore(%arg12 : memref<!tpu.dma_semaphore, #tpu.memory_space<semaphore_mem>>) src(%arg11 : memref<128xf32, #tpu.memory_space<vmem>>) dst(%dma_wait3A_401 : memref<10000xf32, #tpu.memory_space<vmem_shared>>)
          %ne3A_402 = arith.cmpi ne, %add3A_266, %add3A_284 : i32
          %or3A_403 = arith.constant false
          %or3A_404 = arith.ori %or3A_403, %ne3A_402 : i1
          %or3A_405 = arith.constant false
          %or3A_406 = arith.ori %or3A_404, %or3A_405 : i1
          %or3A_407 = arith.ori %or3A_406, %eq3A_265 : i1
          %convert_element_type3A_408 = arith.extui %or3A_407 : i1 to i32
          %cond3A_409 = arith.constant 0 : i32
          %cond3A_410 = arith.cmpi ne, %convert_element_type3A_408, %cond3A_409 : i32
          scf.if %cond3A_410 {
          } else {
          }
          %and3A_411 = arith.constant false
          %and3A_412 = arith.andi %or3A_407, %and3A_411 : i1
          %ne3A_413 = arith.cmpi ne, %add3A_266, %add3A_284 : i32
          %or3A_414 = arith.constant false
          %or3A_415 = arith.ori %or3A_414, %ne3A_413 : i1
          %or3A_416 = arith.constant false
          %or3A_417 = arith.ori %or3A_415, %or3A_416 : i1
          %or3A_418 = arith.ori %or3A_417, %eq3A_265 : i1
          %convert_element_type3A_419 = arith.extui %or3A_418 : i1 to i32
          %cond3A_420 = arith.constant 0 : i32
          %cond3A_421 = arith.cmpi ne, %convert_element_type3A_419, %cond3A_420 : i32
          scf.if %cond3A_421 {
          } else {
          }
          %and3A_422 = arith.constant false
          %and3A_423 = arith.andi %or3A_418, %and3A_422 : i1
          %ne3A_424 = arith.cmpi ne, %add3A_266, %add3A_276 : i32
          %or3A_425 = arith.constant false
          %or3A_426 = arith.ori %or3A_425, %ne3A_424 : i1
          %or3A_427 = arith.constant false
          %or3A_428 = arith.ori %or3A_426, %or3A_427 : i1
          %not3A_429 = arith.constant true
          %not3A_430 = arith.xori %eq3A_262, %not3A_429 : i1
          %and3A_431 = arith.andi %or3A_428, %not3A_430 : i1
          %convert_element_type3A_432 = arith.extui %and3A_431 : i1 to i32
          %cond3A_433 = arith.constant 0 : i32
          %cond3A_434 = arith.cmpi ne, %convert_element_type3A_432, %cond3A_433 : i32
          scf.if %cond3A_434 {
          } else {
          }
          %and3A_435 = arith.constant false
          %and3A_436 = arith.andi %and3A_431, %and3A_435 : i1
          %ne3A_437 = arith.cmpi ne, %add3A_266, %add3A_276 : i32
          %or3A_438 = arith.constant false
          %or3A_439 = arith.ori %or3A_438, %ne3A_437 : i1
          %or3A_440 = arith.constant false
          %or3A_441 = arith.ori %or3A_439, %or3A_440 : i1
          %not3A_442 = arith.constant true
          %not3A_443 = arith.xori %eq3A_262, %not3A_442 : i1
          %and3A_444 = arith.andi %or3A_441, %not3A_443 : i1
          %convert_element_type3A_445 = arith.extui %and3A_444 : i1 to i32
          %cond3A_446 = arith.constant 0 : i32
          %cond3A_447 = arith.cmpi ne, %convert_element_type3A_445, %cond3A_446 : i32
          scf.if %cond3A_447 {
          } else {
          }
          %and3A_448 = arith.constant false
          %and3A_449 = arith.andi %and3A_444, %and3A_448 : i1
          %ne3A_450 = arith.cmpi ne, %add3A_266, %add3A_284 : i32
          %or3A_451 = arith.constant false
          %or3A_452 = arith.ori %or3A_451, %ne3A_450 : i1
          %or3A_453 = arith.constant false
          %or3A_454 = arith.ori %or3A_452, %or3A_453 : i1
          %or3A_455 = arith.ori %or3A_454, %eq3A_265 : i1
          %add3A_456 = arith.constant 1 : i32
          %add3A_457 = arith.addi %while3A_255, %add3A_456 : i32
          %select_n3A_458 = arith.select %or3A_455, %add3A_457, %while3A_255 : i32
          %ne3A_459 = arith.cmpi ne, %add3A_266, %add3A_284 : i32
          %or3A_460 = arith.constant false
          %or3A_461 = arith.ori %or3A_460, %ne3A_459 : i1
          %or3A_462 = arith.constant false
          %or3A_463 = arith.ori %or3A_461, %or3A_462 : i1
          %or3A_464 = arith.ori %or3A_463, %eq3A_265 : i1
          %add3A_465 = arith.constant 1 : i32
          %add3A_466 = arith.addi %while3A_257, %add3A_465 : i32
          %select_n3A_467 = arith.select %or3A_464, %add3A_466, %while3A_257 : i32
          %add3A_468 = arith.constant 1 : i32
          %add3A_469 = arith.addi %while3A_258, %add3A_468 : i32
          %select_n3A_470 = arith.constant true
          %select_n3A_471 = arith.select %select_n3A_470, %add3A_469, %while3A_258 : i32
          %eq3A_472 = arith.cmpi eq, %select_n3A_471, %select_n3A : i32
          %select_n3A_473 = arith.constant 0 : i32
          %select_n3A_474 = arith.select %eq3A_472, %select_n3A_473, %select_n3A_471 : i32
          scf.yield %select_n3A_309, %select_n3A_458, %select_n3A_330, %select_n3A_467, %select_n3A_474 : i32, i32, i32, i32, i32
        }
        %while3A_200 = arith.constant 1 : i32
        %while3A_201:5 = scf.for %while3A_253 = %while3A_197 to %while3A_193 step %while3A_200 iter_args(%while3A_254 = %while3A_199#0, %while3A_255 = %while3A_199#1, %while3A_256 = %while3A_199#2, %while3A_257 = %while3A_199#3, %while3A_258 = %while3A_199#4) -> (i32, i32, i32, i32, i32)  : i32 {
          %mul3A_259 = arith.constant 1 : i32
          %mul3A_260 = arith.muli %mul3A_259, %select_n3A : i32
          %eq3A_261 = arith.constant 0 : i32
          %eq3A_262 = arith.cmpi eq, %while3A_253, %eq3A_261 : i32
          %sub3A_263 = arith.constant 1 : i32
          %sub3A_264 = arith.subi %mul3A_260, %sub3A_263 : i32
          %eq3A_265 = arith.cmpi eq, %while3A_253, %sub3A_264 : i32
          %add3A_266 = arith.addi %while3A_258, %select_n3A_66 : i32
          %sub3A_267 = arith.constant 1 : i32
          %sub3A_268 = arith.subi %while3A_258, %sub3A_267 : i32
          %select_n3A_269 = arith.constant true
          %select_n3A_270 = arith.select %select_n3A_269, %sub3A_268, %while3A_258 : i32
          %eq3A_271 = arith.constant -1 : i32
          %eq3A_272 = arith.cmpi eq, %select_n3A_270, %eq3A_271 : i32
          %sub3A_273 = arith.constant 1 : i32
          %sub3A_274 = arith.subi %select_n3A, %sub3A_273 : i32
          %select_n3A_275 = arith.select %eq3A_272, %sub3A_274, %select_n3A_270 : i32
          %add3A_276 = arith.addi %select_n3A_275, %select_n3A_66 : i32
          %add3A_277 = arith.constant 1 : i32
          %add3A_278 = arith.addi %while3A_258, %add3A_277 : i32
          %select_n3A_279 = arith.constant true
          %select_n3A_280 = arith.select %select_n3A_279, %add3A_278, %while3A_258 : i32
          %eq3A_281 = arith.cmpi eq, %select_n3A_280, %select_n3A : i32
          %select_n3A_282 = arith.constant 0 : i32
          %select_n3A_283 = arith.select %eq3A_281, %select_n3A_282, %select_n3A_280 : i32
          %add3A_284 = arith.addi %select_n3A_283, %select_n3A_66 : i32
          %add3A_285 = arith.constant 1 : i32
          %add3A_286 = arith.addi %select_n3A_283, %add3A_285 : i32
          %select_n3A_287 = arith.constant true
          %select_n3A_288 = arith.select %select_n3A_287, %add3A_286, %select_n3A_283 : i32
          %eq3A_289 = arith.cmpi eq, %select_n3A_288, %select_n3A : i32
          %select_n3A_290 = arith.constant 0 : i32
          %select_n3A_291 = arith.select %eq3A_289, %select_n3A_290, %select_n3A_288 : i32
          %add3A_292 = arith.addi %select_n3A_291, %select_n3A_66 : i32
          %ne3A = arith.cmpi ne, %add3A_266, %add3A_284 : i32
          %or3A = arith.constant false
          %or3A_293 = arith.ori %or3A, %ne3A : i1
          %or3A_294 = arith.constant false
          %or3A_295 = arith.ori %or3A_293, %or3A_294 : i1
          %sub3A_296 = arith.constant 2 : i32
          %sub3A_297 = arith.subi %mul3A_260, %sub3A_296 : i32
          %add3A_298 = arith.constant 1 : i32
          %add3A_299 = arith.addi %sub3A_297, %add3A_298 : i32
          %ge3A = arith.cmpi sge, %while3A_253, %add3A_299 : i32
          %not3A = arith.constant true
          %not3A_300 = arith.xori %ge3A, %not3A : i1
          %and3A_301 = arith.andi %or3A_295, %not3A_300 : i1
          %convert_element_type3A_302 = arith.extui %and3A_301 : i1 to i32
          %cond3A_303 = arith.constant 0 : i32
          %cond3A_304 = arith.cmpi ne, %convert_element_type3A_302, %cond3A_303 : i32
          scf.if %cond3A_304 {
            %rem3A_475 = arith.constant 2 : i32
            %rem3A_476 = arith.remui %while3A_254, %rem3A_475 : i32
            %mul3A_477 = arith.constant 128 : i32
            %mul3A_478 = arith.muli %mul3A_477, %add3A_284 : i32
            %dma_start3A_479 = arith.constant 0 : i32
            %dma_start3A_480 = arith.constant 0 : i32
            %dma_start3A_481 = tpu.memref_slice %run_scoped3A[%rem3A_476, %dma_start3A_479, %dma_start3A_480] : memref<2x128x128xf32, #tpu.memory_space<vmem>> -> memref<1x128x128xf32, #tpu.memory_space<vmem>>
            %dma_start3A_482 = tpu.memref_squeeze %dma_start3A_481 : memref<1x128x128xf32, #tpu.memory_space<vmem>> -> memref<128x128xf32, #tpu.memory_space<vmem>>
            %dma_start3A_483 = arith.constant 0 : i32
            %dma_start3A_484 = tpu.memref_slice %arg2[%mul3A_478, %dma_start3A_483] : memref<320000x128xf32, #tpu.memory_space<hbm>> -> memref<128x128xf32, #tpu.memory_space<hbm>>
            %dma_start3A_485 = tpu.memref_slice %run_scoped3A_101[%rem3A_476] : memref<2x!tpu.dma_semaphore, #tpu.memory_space<semaphore_mem>> -> memref<1x!tpu.dma_semaphore, #tpu.memory_space<semaphore_mem>>
            %dma_start3A_486 = tpu.memref_squeeze %dma_start3A_485 : memref<1x!tpu.dma_semaphore, #tpu.memory_space<semaphore_mem>> -> memref<!tpu.dma_semaphore, #tpu.memory_space<semaphore_mem>>
            %dma_start3A_487 = arith.constant 0 : i32
            %dma_start3A_488 = arith.constant 0 : i32
            %dma_start3A_489 = tpu.memref_slice %run_scoped3A[%rem3A_476, %dma_start3A_487, %dma_start3A_488] : memref<2x128x128xf32, #tpu.memory_space<vmem>> -> memref<1x128x128xf32, #tpu.memory_space<vmem>>
            %dma_start3A_490 = tpu.memref_squeeze %dma_start3A_489 : memref<1x128x128xf32, #tpu.memory_space<vmem>> -> memref<128x128xf32, #tpu.memory_space<vmem>>
            %dma_start3A_491 = arith.constant 0 : i32
            %dma_start3A_492 = tpu.memref_slice %arg2[%mul3A_478, %dma_start3A_491] : memref<320000x128xf32, #tpu.memory_space<hbm>> -> memref<128x128xf32, #tpu.memory_space<hbm>>
            tpu.enqueue_dma source(%dma_start3A_492 : memref<128x128xf32, #tpu.memory_space<hbm>>) target(%dma_start3A_490 : memref<128x128xf32, #tpu.memory_space<vmem>>) target_semaphore(%dma_start3A_486 : memref<!tpu.dma_semaphore, #tpu.memory_space<semaphore_mem>>)
          } else {
          }
          %and3A_305 = arith.constant true
          %and3A_306 = arith.andi %and3A_301, %and3A_305 : i1
          %add3A_307 = arith.constant 1 : i32
          %add3A_308 = arith.addi %while3A_254, %add3A_307 : i32
          %select_n3A_309 = arith.select %and3A_306, %add3A_308, %while3A_254 : i32
          %ne3A_310 = arith.cmpi ne, %add3A_266, %add3A_284 : i32
          %or3A_311 = arith.constant false
          %or3A_312 = arith.ori %or3A_311, %ne3A_310 : i1
          %or3A_313 = arith.constant false
          %or3A_314 = arith.ori %or3A_312, %or3A_313 : i1
          %sub3A_315 = arith.constant 2 : i32
          %sub3A_316 = arith.subi %mul3A_260, %sub3A_315 : i32
          %add3A_317 = arith.constant 1 : i32
          %add3A_318 = arith.addi %sub3A_316, %add3A_317 : i32
          %ge3A_319 = arith.cmpi sge, %while3A_253, %add3A_318 : i32
          %not3A_320 = arith.constant true
          %not3A_321 = arith.xori %ge3A_319, %not3A_320 : i1
          %and3A_322 = arith.andi %or3A_314, %not3A_321 : i1
          %convert_element_type3A_323 = arith.extui %and3A_322 : i1 to i32
          %cond3A_324 = arith.constant 0 : i32
          %cond3A_325 = arith.cmpi ne, %convert_element_type3A_323, %cond3A_324 : i32
          scf.if %cond3A_325 {
            %rem3A_475 = arith.constant 2 : i32
            %rem3A_476 = arith.remui %while3A_256, %rem3A_475 : i32
            %mul3A_477 = arith.constant 1 : i32
            %mul3A_478 = arith.muli %mul3A_477, %add3A_284 : i32
            %dma_start3A_479 = arith.constant 0 : i32
            %dma_start3A_480 = arith.constant 0 : i32
            %dma_start3A_481 = tpu.memref_slice %run_scoped3A_102[%rem3A_476, %dma_start3A_479, %dma_start3A_480] : memref<2x1x128xi32, #tpu.memory_space<vmem>> -> memref<1x1x128xi32, #tpu.memory_space<vmem>>
            %dma_start3A_482 = tpu.memref_squeeze %dma_start3A_481 : memref<1x1x128xi32, #tpu.memory_space<vmem>> -> memref<1x128xi32, #tpu.memory_space<vmem>>
            %dma_start3A_483 = arith.constant 0 : i32
            %dma_start3A_484 = tpu.memref_slice %arg3[%mul3A_478, %dma_start3A_483] : memref<2500x128xi32, #tpu.memory_space<hbm>> -> memref<1x128xi32, #tpu.memory_space<hbm>>
            %dma_start3A_485 = tpu.memref_slice %run_scoped3A_103[%rem3A_476] : memref<2x!tpu.dma_semaphore, #tpu.memory_space<semaphore_mem>> -> memref<1x!tpu.dma_semaphore, #tpu.memory_space<semaphore_mem>>
            %dma_start3A_486 = tpu.memref_squeeze %dma_start3A_485 : memref<1x!tpu.dma_semaphore, #tpu.memory_space<semaphore_mem>> -> memref<!tpu.dma_semaphore, #tpu.memory_space<semaphore_mem>>
            %dma_start3A_487 = arith.constant 0 : i32
            %dma_start3A_488 = arith.constant 0 : i32
            %dma_start3A_489 = tpu.memref_slice %run_scoped3A_102[%rem3A_476, %dma_start3A_487, %dma_start3A_488] : memref<2x1x128xi32, #tpu.memory_space<vmem>> -> memref<1x1x128xi32, #tpu.memory_space<vmem>>
            %dma_start3A_490 = tpu.memref_squeeze %dma_start3A_489 : memref<1x1x128xi32, #tpu.memory_space<vmem>> -> memref<1x128xi32, #tpu.memory_space<vmem>>
            %dma_start3A_491 = arith.constant 0 : i32
            %dma_start3A_492 = tpu.memref_slice %arg3[%mul3A_478, %dma_start3A_491] : memref<2500x128xi32, #tpu.memory_space<hbm>> -> memref<1x128xi32, #tpu.memory_space<hbm>>
            tpu.enqueue_dma source(%dma_start3A_492 : memref<1x128xi32, #tpu.memory_space<hbm>>) target(%dma_start3A_490 : memref<1x128xi32, #tpu.memory_space<vmem>>) target_semaphore(%dma_start3A_486 : memref<!tpu.dma_semaphore, #tpu.memory_space<semaphore_mem>>)
          } else {
          }
          %and3A_326 = arith.constant true
          %and3A_327 = arith.andi %and3A_322, %and3A_326 : i1
          %add3A_328 = arith.constant 1 : i32
          %add3A_329 = arith.addi %while3A_256, %add3A_328 : i32
          %select_n3A_330 = arith.select %and3A_327, %add3A_329, %while3A_256 : i32
          %ne3A_331 = arith.cmpi ne, %add3A_266, %add3A_276 : i32
          %or3A_332 = arith.constant false
          %or3A_333 = arith.ori %or3A_332, %ne3A_331 : i1
          %or3A_334 = arith.constant false
          %or3A_335 = arith.ori %or3A_333, %or3A_334 : i1
          %or3A_336 = arith.ori %or3A_335, %eq3A_262 : i1
          %convert_element_type3A_337 = arith.extui %or3A_336 : i1 to i32
          %cond3A_338 = arith.constant 0 : i32
          %cond3A_339 = arith.cmpi ne, %convert_element_type3A_337, %cond3A_338 : i32
          scf.if %cond3A_339 {
            %mul3A_475 = arith.constant 128 : i32
            %mul3A_476 = arith.muli %mul3A_475, %add3A_266 : i32
            %rem3A_477 = arith.constant 2 : i32
            %rem3A_478 = arith.remui %while3A_255, %rem3A_477 : i32
            %dma_wait3A_479 = arith.constant 0 : i32
            %dma_wait3A_480 = arith.constant 0 : i32
            %dma_wait3A_481 = tpu.memref_slice %run_scoped3A[%rem3A_478, %dma_wait3A_479, %dma_wait3A_480] : memref<2x128x128xf32, #tpu.memory_space<vmem>> -> memref<1x128x128xf32, #tpu.memory_space<vmem>>
            %dma_wait3A_482 = tpu.memref_squeeze %dma_wait3A_481 : memref<1x128x128xf32, #tpu.memory_space<vmem>> -> memref<128x128xf32, #tpu.memory_space<vmem>>
            %dma_wait3A_483 = arith.constant 0 : i32
            %dma_wait3A_484 = tpu.memref_slice %arg2[%mul3A_476, %dma_wait3A_483] : memref<320000x128xf32, #tpu.memory_space<hbm>> -> memref<128x128xf32, #tpu.memory_space<hbm>>
            %dma_wait3A_485 = tpu.memref_slice %run_scoped3A_101[%rem3A_478] : memref<2x!tpu.dma_semaphore, #tpu.memory_space<semaphore_mem>> -> memref<1x!tpu.dma_semaphore, #tpu.memory_space<semaphore_mem>>
            %dma_wait3A_486 = tpu.memref_squeeze %dma_wait3A_485 : memref<1x!tpu.dma_semaphore, #tpu.memory_space<semaphore_mem>> -> memref<!tpu.dma_semaphore, #tpu.memory_space<semaphore_mem>>
            %dma_wait3A_487 = arith.constant 0 : i32
            %dma_wait3A_488 = arith.constant 0 : i32
            %dma_wait3A_489 = tpu.memref_slice %run_scoped3A[%rem3A_478, %dma_wait3A_487, %dma_wait3A_488] : memref<2x128x128xf32, #tpu.memory_space<vmem>> -> memref<1x128x128xf32, #tpu.memory_space<vmem>>
            %dma_wait3A_490 = tpu.memref_squeeze %dma_wait3A_489 : memref<1x128x128xf32, #tpu.memory_space<vmem>> -> memref<128x128xf32, #tpu.memory_space<vmem>>
            %dma_wait3A_491 = arith.constant 0 : i32
            %dma_wait3A_492 = tpu.memref_slice %arg2[%mul3A_476, %dma_wait3A_491] : memref<320000x128xf32, #tpu.memory_space<hbm>> -> memref<128x128xf32, #tpu.memory_space<hbm>>
            tpu.wait_dma2 semaphore(%dma_wait3A_486 : memref<!tpu.dma_semaphore, #tpu.memory_space<semaphore_mem>>) src(%dma_wait3A_492 : memref<128x128xf32, #tpu.memory_space<hbm>>) dst(%dma_wait3A_490 : memref<128x128xf32, #tpu.memory_space<vmem>>)
          } else {
          }
          %ne3A_340 = arith.cmpi ne, %add3A_266, %add3A_276 : i32
          %or3A_341 = arith.constant false
          %or3A_342 = arith.ori %or3A_341, %ne3A_340 : i1
          %or3A_343 = arith.constant false
          %or3A_344 = arith.ori %or3A_342, %or3A_343 : i1
          %or3A_345 = arith.ori %or3A_344, %eq3A_262 : i1
          %convert_element_type3A_346 = arith.extui %or3A_345 : i1 to i32
          %cond3A_347 = arith.constant 0 : i32
          %cond3A_348 = arith.cmpi ne, %convert_element_type3A_346, %cond3A_347 : i32
          scf.if %cond3A_348 {
            %mul3A_475 = arith.constant 1 : i32
            %mul3A_476 = arith.muli %mul3A_475, %add3A_266 : i32
            %rem3A_477 = arith.constant 2 : i32
            %rem3A_478 = arith.remui %while3A_257, %rem3A_477 : i32
            %dma_wait3A_479 = arith.constant 0 : i32
            %dma_wait3A_480 = arith.constant 0 : i32
            %dma_wait3A_481 = tpu.memref_slice %run_scoped3A_102[%rem3A_478, %dma_wait3A_479, %dma_wait3A_480] : memref<2x1x128xi32, #tpu.memory_space<vmem>> -> memref<1x1x128xi32, #tpu.memory_space<vmem>>
            %dma_wait3A_482 = tpu.memref_squeeze %dma_wait3A_481 : memref<1x1x128xi32, #tpu.memory_space<vmem>> -> memref<1x128xi32, #tpu.memory_space<vmem>>
            %dma_wait3A_483 = arith.constant 0 : i32
            %dma_wait3A_484 = tpu.memref_slice %arg3[%mul3A_476, %dma_wait3A_483] : memref<2500x128xi32, #tpu.memory_space<hbm>> -> memref<1x128xi32, #tpu.memory_space<hbm>>
            %dma_wait3A_485 = tpu.memref_slice %run_scoped3A_103[%rem3A_478] : memref<2x!tpu.dma_semaphore, #tpu.memory_space<semaphore_mem>> -> memref<1x!tpu.dma_semaphore, #tpu.memory_space<semaphore_mem>>
            %dma_wait3A_486 = tpu.memref_squeeze %dma_wait3A_485 : memref<1x!tpu.dma_semaphore, #tpu.memory_space<semaphore_mem>> -> memref<!tpu.dma_semaphore, #tpu.memory_space<semaphore_mem>>
            %dma_wait3A_487 = arith.constant 0 : i32
            %dma_wait3A_488 = arith.constant 0 : i32
            %dma_wait3A_489 = tpu.memref_slice %run_scoped3A_102[%rem3A_478, %dma_wait3A_487, %dma_wait3A_488] : memref<2x1x128xi32, #tpu.memory_space<vmem>> -> memref<1x1x128xi32, #tpu.memory_space<vmem>>
            %dma_wait3A_490 = tpu.memref_squeeze %dma_wait3A_489 : memref<1x1x128xi32, #tpu.memory_space<vmem>> -> memref<1x128xi32, #tpu.memory_space<vmem>>
            %dma_wait3A_491 = arith.constant 0 : i32
            %dma_wait3A_492 = tpu.memref_slice %arg3[%mul3A_476, %dma_wait3A_491] : memref<2500x128xi32, #tpu.memory_space<hbm>> -> memref<1x128xi32, #tpu.memory_space<hbm>>
            tpu.wait_dma2 semaphore(%dma_wait3A_486 : memref<!tpu.dma_semaphore, #tpu.memory_space<semaphore_mem>>) src(%dma_wait3A_492 : memref<1x128xi32, #tpu.memory_space<hbm>>) dst(%dma_wait3A_490 : memref<1x128xi32, #tpu.memory_space<vmem>>)
          } else {
          }
          %rem3A_349 = arith.constant 2 : i32
          %rem3A_350 = arith.remui %while3A_255, %rem3A_349 : i32
          %rem3A_351 = arith.constant 2 : i32
          %rem3A_352 = arith.remui %while3A_257, %rem3A_351 : i32
          %dma_start3A_353 = arith.constant 0 : i32
          %dma_start3A_354 = arith.constant 0 : i32
          %dma_start3A_355 = arith.constant 0 : i32
          %dma_start3A_356 = tpu.memref_slice %run_scoped3A[%rem3A_350, %dma_start3A_354, %dma_start3A_355] : memref<2x128x128xf32, #tpu.memory_space<vmem>> -> memref<1x128x128xf32, #tpu.memory_space<vmem>>
          %dma_start3A_357 = tpu.memref_squeeze %dma_start3A_356 : memref<1x128x128xf32, #tpu.memory_space<vmem>> -> memref<128x128xf32, #tpu.memory_space<vmem>>
          %dma_start3A_358 = arith.constant 0 : i32
          %dma_start3A_359 = arith.constant 0 : i32
          %dma_start3A_360 = tpu.memref_slice %run_scoped3A_102[%rem3A_352, %dma_start3A_358, %dma_start3A_359] : memref<2x1x128xi32, #tpu.memory_space<vmem>> -> memref<1x1x128xi32, #tpu.memory_space<vmem>>
          %dma_start3A_361 = tpu.memref_squeeze %dma_start3A_360 : memref<1x1x128xi32, #tpu.memory_space<vmem>> -> memref<1x128xi32, #tpu.memory_space<vmem>>
          %dma_start3A_362 = arith.constant 0 : i32
          %dma_start3A_363 = tpu.memref_slice %dma_start3A_361[%dma_start3A_353, %dma_start3A_362] : memref<1x128xi32, #tpu.memory_space<vmem>> -> memref<1x128xi32, #tpu.memory_space<vmem>>
          %dma_start3A_364 = tpu.memref_squeeze %dma_start3A_363 : memref<1x128xi32, #tpu.memory_space<vmem>> -> memref<128xi32, #tpu.memory_space<vmem>>
          %dma_start3A_365 = arith.constant 0 : i32
          %dma_start3A_366 = arith.constant 0 : i32
          %dma_start3A_367 = tpu.memref_slice %arg7[%dma_start3A_365, %dma_start3A_366] : memref<10000x128xf32, #tpu.memory_space<vmem_shared>> -> memref<10000x128xf32, #tpu.memory_space<vmem_shared>>
          tpu.enqueue_indirect_dma source(%dma_start3A_357 : memref<128x128xf32, #tpu.memory_space<vmem>>) target(%dma_start3A_367 : memref<10000x128xf32, #tpu.memory_space<vmem_shared>>) offsets(%dma_start3A_364 : memref<128xi32, #tpu.memory_space<vmem>>) semaphore(%arg12 : memref<!tpu.dma_semaphore, #tpu.memory_space<semaphore_mem>>) {add = true}
          %dma_start3A_368 = arith.constant 0 : i32
          %dma_start3A_369 = arith.constant 0 : i32
          %dma_start3A_370 = arith.constant 0 : i32
          %dma_start3A_371 = tpu.memref_slice %run_scoped3A_102[%rem3A_352, %dma_start3A_369, %dma_start3A_370] : memref<2x1x128xi32, #tpu.memory_space<vmem>> -> memref<1x1x128xi32, #tpu.memory_space<vmem>>
          %dma_start3A_372 = tpu.memref_squeeze %dma_start3A_371 : memref<1x1x128xi32, #tpu.memory_space<vmem>> -> memref<1x128xi32, #tpu.memory_space<vmem>>
          %dma_start3A_373 = arith.constant 0 : i32
          %dma_start3A_374 = tpu.memref_slice %dma_start3A_372[%dma_start3A_368, %dma_start3A_373] : memref<1x128xi32, #tpu.memory_space<vmem>> -> memref<1x128xi32, #tpu.memory_space<vmem>>
          %dma_start3A_375 = tpu.memref_squeeze %dma_start3A_374 : memref<1x128xi32, #tpu.memory_space<vmem>> -> memref<128xi32, #tpu.memory_space<vmem>>
          %dma_start3A_376 = arith.constant 0 : i32
          %dma_start3A_377 = tpu.memref_slice %arg8[%dma_start3A_376] : memref<10000xf32, #tpu.memory_space<vmem_shared>> -> memref<10000xf32, #tpu.memory_space<vmem_shared>>
          tpu.enqueue_indirect_dma source(%arg11 : memref<128xf32, #tpu.memory_space<vmem>>) target(%dma_start3A_377 : memref<10000xf32, #tpu.memory_space<vmem_shared>>) offsets(%dma_start3A_375 : memref<128xi32, #tpu.memory_space<vmem>>) semaphore(%arg12 : memref<!tpu.dma_semaphore, #tpu.memory_space<semaphore_mem>>) {add = true}
          %dma_wait3A = arith.constant 0 : i32
          %dma_wait3A_378 = arith.constant 0 : i32
          %dma_wait3A_379 = arith.constant 0 : i32
          %dma_wait3A_380 = tpu.memref_slice %run_scoped3A[%rem3A_350, %dma_wait3A_378, %dma_wait3A_379] : memref<2x128x128xf32, #tpu.memory_space<vmem>> -> memref<1x128x128xf32, #tpu.memory_space<vmem>>
          %dma_wait3A_381 = tpu.memref_squeeze %dma_wait3A_380 : memref<1x128x128xf32, #tpu.memory_space<vmem>> -> memref<128x128xf32, #tpu.memory_space<vmem>>
          %dma_wait3A_382 = arith.constant 0 : i32
          %dma_wait3A_383 = arith.constant 0 : i32
          %dma_wait3A_384 = tpu.memref_slice %run_scoped3A_102[%rem3A_352, %dma_wait3A_382, %dma_wait3A_383] : memref<2x1x128xi32, #tpu.memory_space<vmem>> -> memref<1x1x128xi32, #tpu.memory_space<vmem>>
          %dma_wait3A_385 = tpu.memref_squeeze %dma_wait3A_384 : memref<1x1x128xi32, #tpu.memory_space<vmem>> -> memref<1x128xi32, #tpu.memory_space<vmem>>
          %dma_wait3A_386 = arith.constant 0 : i32
          %dma_wait3A_387 = tpu.memref_slice %dma_wait3A_385[%dma_wait3A, %dma_wait3A_386] : memref<1x128xi32, #tpu.memory_space<vmem>> -> memref<1x128xi32, #tpu.memory_space<vmem>>
          %dma_wait3A_388 = tpu.memref_squeeze %dma_wait3A_387 : memref<1x128xi32, #tpu.memory_space<vmem>> -> memref<128xi32, #tpu.memory_space<vmem>>
          %dma_wait3A_389 = arith.constant 0 : i32
          %dma_wait3A_390 = arith.constant 0 : i32
          %dma_wait3A_391 = tpu.memref_slice %arg7[%dma_wait3A_389, %dma_wait3A_390] : memref<10000x128xf32, #tpu.memory_space<vmem_shared>> -> memref<10000x128xf32, #tpu.memory_space<vmem_shared>>
          tpu.wait_indirect_dma semaphore(%arg12 : memref<!tpu.dma_semaphore, #tpu.memory_space<semaphore_mem>>) src(%dma_wait3A_381 : memref<128x128xf32, #tpu.memory_space<vmem>>) dst(%dma_wait3A_391 : memref<10000x128xf32, #tpu.memory_space<vmem_shared>>)
          %dma_wait3A_392 = arith.constant 0 : i32
          %dma_wait3A_393 = arith.constant 0 : i32
          %dma_wait3A_394 = arith.constant 0 : i32
          %dma_wait3A_395 = tpu.memref_slice %run_scoped3A_102[%rem3A_352, %dma_wait3A_393, %dma_wait3A_394] : memref<2x1x128xi32, #tpu.memory_space<vmem>> -> memref<1x1x128xi32, #tpu.memory_space<vmem>>
          %dma_wait3A_396 = tpu.memref_squeeze %dma_wait3A_395 : memref<1x1x128xi32, #tpu.memory_space<vmem>> -> memref<1x128xi32, #tpu.memory_space<vmem>>
          %dma_wait3A_397 = arith.constant 0 : i32
          %dma_wait3A_398 = tpu.memref_slice %dma_wait3A_396[%dma_wait3A_392, %dma_wait3A_397] : memref<1x128xi32, #tpu.memory_space<vmem>> -> memref<1x128xi32, #tpu.memory_space<vmem>>
          %dma_wait3A_399 = tpu.memref_squeeze %dma_wait3A_398 : memref<1x128xi32, #tpu.memory_space<vmem>> -> memref<128xi32, #tpu.memory_space<vmem>>
          %dma_wait3A_400 = arith.constant 0 : i32
          %dma_wait3A_401 = tpu.memref_slice %arg8[%dma_wait3A_400] : memref<10000xf32, #tpu.memory_space<vmem_shared>> -> memref<10000xf32, #tpu.memory_space<vmem_shared>>
          tpu.wait_indirect_dma semaphore(%arg12 : memref<!tpu.dma_semaphore, #tpu.memory_space<semaphore_mem>>) src(%arg11 : memref<128xf32, #tpu.memory_space<vmem>>) dst(%dma_wait3A_401 : memref<10000xf32, #tpu.memory_space<vmem_shared>>)
          %ne3A_402 = arith.cmpi ne, %add3A_266, %add3A_284 : i32
          %or3A_403 = arith.constant false
          %or3A_404 = arith.ori %or3A_403, %ne3A_402 : i1
          %or3A_405 = arith.constant false
          %or3A_406 = arith.ori %or3A_404, %or3A_405 : i1
          %or3A_407 = arith.ori %or3A_406, %eq3A_265 : i1
          %convert_element_type3A_408 = arith.extui %or3A_407 : i1 to i32
          %cond3A_409 = arith.constant 0 : i32
          %cond3A_410 = arith.cmpi ne, %convert_element_type3A_408, %cond3A_409 : i32
          scf.if %cond3A_410 {
          } else {
          }
          %and3A_411 = arith.constant false
          %and3A_412 = arith.andi %or3A_407, %and3A_411 : i1
          %ne3A_413 = arith.cmpi ne, %add3A_266, %add3A_284 : i32
          %or3A_414 = arith.constant false
          %or3A_415 = arith.ori %or3A_414, %ne3A_413 : i1
          %or3A_416 = arith.constant false
          %or3A_417 = arith.ori %or3A_415, %or3A_416 : i1
          %or3A_418 = arith.ori %or3A_417, %eq3A_265 : i1
          %convert_element_type3A_419 = arith.extui %or3A_418 : i1 to i32
          %cond3A_420 = arith.constant 0 : i32
          %cond3A_421 = arith.cmpi ne, %convert_element_type3A_419, %cond3A_420 : i32
          scf.if %cond3A_421 {
          } else {
          }
          %and3A_422 = arith.constant false
          %and3A_423 = arith.andi %or3A_418, %and3A_422 : i1
          %ne3A_424 = arith.cmpi ne, %add3A_266, %add3A_276 : i32
          %or3A_425 = arith.constant false
          %or3A_426 = arith.ori %or3A_425, %ne3A_424 : i1
          %or3A_427 = arith.constant false
          %or3A_428 = arith.ori %or3A_426, %or3A_427 : i1
          %not3A_429 = arith.constant true
          %not3A_430 = arith.xori %eq3A_262, %not3A_429 : i1
          %and3A_431 = arith.andi %or3A_428, %not3A_430 : i1
          %convert_element_type3A_432 = arith.extui %and3A_431 : i1 to i32
          %cond3A_433 = arith.constant 0 : i32
          %cond3A_434 = arith.cmpi ne, %convert_element_type3A_432, %cond3A_433 : i32
          scf.if %cond3A_434 {
          } else {
          }
          %and3A_435 = arith.constant false
          %and3A_436 = arith.andi %and3A_431, %and3A_435 : i1
          %ne3A_437 = arith.cmpi ne, %add3A_266, %add3A_276 : i32
          %or3A_438 = arith.constant false
          %or3A_439 = arith.ori %or3A_438, %ne3A_437 : i1
          %or3A_440 = arith.constant false
          %or3A_441 = arith.ori %or3A_439, %or3A_440 : i1
          %not3A_442 = arith.constant true
          %not3A_443 = arith.xori %eq3A_262, %not3A_442 : i1
          %and3A_444 = arith.andi %or3A_441, %not3A_443 : i1
          %convert_element_type3A_445 = arith.extui %and3A_444 : i1 to i32
          %cond3A_446 = arith.constant 0 : i32
          %cond3A_447 = arith.cmpi ne, %convert_element_type3A_445, %cond3A_446 : i32
          scf.if %cond3A_447 {
          } else {
          }
          %and3A_448 = arith.constant false
          %and3A_449 = arith.andi %and3A_444, %and3A_448 : i1
          %ne3A_450 = arith.cmpi ne, %add3A_266, %add3A_284 : i32
          %or3A_451 = arith.constant false
          %or3A_452 = arith.ori %or3A_451, %ne3A_450 : i1
          %or3A_453 = arith.constant false
          %or3A_454 = arith.ori %or3A_452, %or3A_453 : i1
          %or3A_455 = arith.ori %or3A_454, %eq3A_265 : i1
          %add3A_456 = arith.constant 1 : i32
          %add3A_457 = arith.addi %while3A_255, %add3A_456 : i32
          %select_n3A_458 = arith.select %or3A_455, %add3A_457, %while3A_255 : i32
          %ne3A_459 = arith.cmpi ne, %add3A_266, %add3A_284 : i32
          %or3A_460 = arith.constant false
          %or3A_461 = arith.ori %or3A_460, %ne3A_459 : i1
          %or3A_462 = arith.constant false
          %or3A_463 = arith.ori %or3A_461, %or3A_462 : i1
          %or3A_464 = arith.ori %or3A_463, %eq3A_265 : i1
          %add3A_465 = arith.constant 1 : i32
          %add3A_466 = arith.addi %while3A_257, %add3A_465 : i32
          %select_n3A_467 = arith.select %or3A_464, %add3A_466, %while3A_257 : i32
          %add3A_468 = arith.constant 1 : i32
          %add3A_469 = arith.addi %while3A_258, %add3A_468 : i32
          %select_n3A_470 = arith.constant true
          %select_n3A_471 = arith.select %select_n3A_470, %add3A_469, %while3A_258 : i32
          %eq3A_472 = arith.cmpi eq, %select_n3A_471, %select_n3A : i32
          %select_n3A_473 = arith.constant 0 : i32
          %select_n3A_474 = arith.select %eq3A_472, %select_n3A_473, %select_n3A_471 : i32
          scf.yield %select_n3A_309, %select_n3A_458, %select_n3A_330, %select_n3A_467, %select_n3A_474 : i32, i32, i32, i32, i32
        }
        %sub3A_202 = arith.constant 1 : i32
        %sub3A_203 = arith.subi %while3A_201#4, %sub3A_202 : i32
        %select_n3A_204 = arith.constant true
        %select_n3A_205 = arith.select %select_n3A_204, %sub3A_203, %while3A_201#4 : i32
        %eq3A_206 = arith.constant -1 : i32
        %eq3A_207 = arith.cmpi eq, %select_n3A_205, %eq3A_206 : i32
        %sub3A_208 = arith.constant 1 : i32
        %sub3A_209 = arith.subi %select_n3A, %sub3A_208 : i32
        %select_n3A_210 = arith.select %eq3A_207, %sub3A_209, %select_n3A_205 : i32
        %sub3A_211 = arith.constant 1 : i32
        %sub3A_212 = arith.subi %mul3A_68, %sub3A_211 : i32
        %mul3A_213 = arith.constant 1 : i32
        %mul3A_214 = arith.muli %mul3A_213, %select_n3A : i32
        %eq3A_215 = arith.constant 0 : i32
        %eq3A_216 = arith.cmpi eq, %sub3A_212, %eq3A_215 : i32
        %sub3A_217 = arith.constant 1 : i32
        %sub3A_218 = arith.subi %mul3A_214, %sub3A_217 : i32
        %eq3A_219 = arith.cmpi eq, %sub3A_212, %sub3A_218 : i32
        %add3A_220 = arith.addi %select_n3A_210, %select_n3A_66 : i32
        %sub3A_221 = arith.constant 1 : i32
        %sub3A_222 = arith.subi %select_n3A_210, %sub3A_221 : i32
        %select_n3A_223 = arith.constant true
        %select_n3A_224 = arith.select %select_n3A_223, %sub3A_222, %select_n3A_210 : i32
        %eq3A_225 = arith.constant -1 : i32
        %eq3A_226 = arith.cmpi eq, %select_n3A_224, %eq3A_225 : i32
        %sub3A_227 = arith.constant 1 : i32
        %sub3A_228 = arith.subi %select_n3A, %sub3A_227 : i32
        %select_n3A_229 = arith.select %eq3A_226, %sub3A_228, %select_n3A_224 : i32
        %add3A_230 = arith.addi %select_n3A_229, %select_n3A_66 : i32
        %add3A_231 = arith.constant 1 : i32
        %add3A_232 = arith.addi %select_n3A_210, %add3A_231 : i32
        %select_n3A_233 = arith.constant true
        %select_n3A_234 = arith.select %select_n3A_233, %add3A_232, %select_n3A_210 : i32
        %eq3A_235 = arith.cmpi eq, %select_n3A_234, %select_n3A : i32
        %select_n3A_236 = arith.constant 0 : i32
        %select_n3A_237 = arith.select %eq3A_235, %select_n3A_236, %select_n3A_234 : i32
        %add3A_238 = arith.addi %select_n3A_237, %select_n3A_66 : i32
        %add3A_239 = arith.constant 1 : i32
        %add3A_240 = arith.addi %select_n3A_237, %add3A_239 : i32
        %select_n3A_241 = arith.constant true
        %select_n3A_242 = arith.select %select_n3A_241, %add3A_240, %select_n3A_237 : i32
        %eq3A_243 = arith.cmpi eq, %select_n3A_242, %select_n3A : i32
        %select_n3A_244 = arith.constant 0 : i32
        %select_n3A_245 = arith.select %eq3A_243, %select_n3A_244, %select_n3A_242 : i32
        %add3A_246 = arith.addi %select_n3A_245, %select_n3A_66 : i32
        %convert_element_type3A_247 = arith.extui %eq3A_219 : i1 to i32
        %cond3A_248 = arith.constant 0 : i32
        %cond3A_249 = arith.cmpi ne, %convert_element_type3A_247, %cond3A_248 : i32
        scf.if %cond3A_249 {
        } else {
        }
        %convert_element_type3A_250 = arith.extui %eq3A_219 : i1 to i32
        %cond3A_251 = arith.constant 0 : i32
        %cond3A_252 = arith.cmpi ne, %convert_element_type3A_250, %cond3A_251 : i32
        scf.if %cond3A_252 {
        } else {
        }
      } else {
      }
      tpu.yield
    }) : () -> ()
    %barrier3A_69 = arith.constant 0 : index
    tpu.barrier barrier_id(%barrier3A_69)
    %eq3A_70 = arith.constant 0 : i32
    %eq3A_71 = arith.cmpi eq, %arg0, %eq3A_70 : i32
    %lt3A_72 = arith.constant 15 : i32
    %lt3A_73 = arith.cmpi slt, %arg1, %lt3A_72 : i32
    %and3A = arith.andi %eq3A_71, %lt3A_73 : i1
    %convert_element_type3A_74 = arith.extui %and3A : i1 to i32
    %cond3A_75 = arith.constant 0 : i32
    %cond3A_76 = arith.cmpi ne, %convert_element_type3A_74, %cond3A_75 : i32
    scf.if %cond3A_76 {
      "tpu.region"() ({
        %run_scoped3A = tpu.sem_alloc : memref<!tpu.dma_semaphore, #tpu.memory_space<semaphore_mem>>
        %dma_start3A = arith.constant 0 : i32
        %dma_start3A_101 = tpu.memref_slice %arg4[%arg0, %mul3A_43, %dma_start3A] : memref<2x10000x128xf32, #tpu.memory_space<hbm>> -> memref<1x640x128xf32, #tpu.memory_space<hbm>>
        %dma_start3A_102 = tpu.memref_squeeze %dma_start3A_101 : memref<1x640x128xf32, #tpu.memory_space<hbm>> -> memref<640x128xf32, #tpu.memory_space<hbm>>
        %dma_start3A_103 = arith.constant 0 : i32
        %dma_start3A_104 = tpu.memref_slice %arg7[%mul3A_43, %dma_start3A_103] : memref<10000x128xf32, #tpu.memory_space<vmem_shared>> -> memref<640x128xf32, #tpu.memory_space<vmem_shared>>
        tpu.enqueue_dma source(%dma_start3A_104 : memref<640x128xf32, #tpu.memory_space<vmem_shared>>) target(%dma_start3A_102 : memref<640x128xf32, #tpu.memory_space<hbm>>) target_semaphore(%run_scoped3A : memref<!tpu.dma_semaphore, #tpu.memory_space<semaphore_mem>>)
        %dma_wait3A = arith.constant 0 : i32
        %dma_wait3A_105 = tpu.memref_slice %arg4[%arg0, %mul3A_43, %dma_wait3A] : memref<2x10000x128xf32, #tpu.memory_space<hbm>> -> memref<1x640x128xf32, #tpu.memory_space<hbm>>
        %dma_wait3A_106 = tpu.memref_squeeze %dma_wait3A_105 : memref<1x640x128xf32, #tpu.memory_space<hbm>> -> memref<640x128xf32, #tpu.memory_space<hbm>>
        %dma_wait3A_107 = arith.constant 0 : i32
        %dma_wait3A_108 = tpu.memref_slice %arg7[%mul3A_43, %dma_wait3A_107] : memref<10000x128xf32, #tpu.memory_space<vmem_shared>> -> memref<640x128xf32, #tpu.memory_space<vmem_shared>>
        tpu.wait_dma2 semaphore(%run_scoped3A : memref<!tpu.dma_semaphore, #tpu.memory_space<semaphore_mem>>) src(%dma_wait3A_108 : memref<640x128xf32, #tpu.memory_space<vmem_shared>>) dst(%dma_wait3A_106 : memref<640x128xf32, #tpu.memory_space<hbm>>)
        tpu.yield
      }) : () -> ()
      "tpu.region"() ({
        %run_scoped3A = tpu.sem_alloc : memref<!tpu.dma_semaphore, #tpu.memory_space<semaphore_mem>>
        %dma_start3A = tpu.memref_slice %arg8[%mul3A_43] : memref<10000xf32, #tpu.memory_space<vmem_shared>> -> memref<640xf32, #tpu.memory_space<vmem_shared>>
        %dma_start3A_101 = tpu.memref_slice %arg8[%mul3A_43] : memref<10000xf32, #tpu.memory_space<vmem_shared>> -> memref<640xf32, #tpu.memory_space<vmem_shared>>
        tpu.enqueue_dma source(%dma_start3A_101 : memref<640xf32, #tpu.memory_space<vmem_shared>>) target(%arg10 : memref<640xf32, #tpu.memory_space<vmem>>) target_semaphore(%run_scoped3A : memref<!tpu.dma_semaphore, #tpu.memory_space<semaphore_mem>>)
        %dma_wait3A = tpu.memref_slice %arg8[%mul3A_43] : memref<10000xf32, #tpu.memory_space<vmem_shared>> -> memref<640xf32, #tpu.memory_space<vmem_shared>>
        %dma_wait3A_102 = tpu.memref_slice %arg8[%mul3A_43] : memref<10000xf32, #tpu.memory_space<vmem_shared>> -> memref<640xf32, #tpu.memory_space<vmem_shared>>
        tpu.wait_dma2 semaphore(%run_scoped3A : memref<!tpu.dma_semaphore, #tpu.memory_space<semaphore_mem>>) src(%dma_wait3A_102 : memref<640xf32, #tpu.memory_space<vmem_shared>>) dst(%arg10 : memref<640xf32, #tpu.memory_space<vmem>>)
        tpu.yield
      }) : () -> ()
      "tpu.region"() ({
        %run_scoped3A = tpu.sem_alloc : memref<!tpu.dma_semaphore, #tpu.memory_space<semaphore_mem>>
        %dma_start3A = tpu.memref_slice %arg5[%mul3A_43] : memref<10000xf32, #tpu.memory_space<hbm>> -> memref<640xf32, #tpu.memory_space<hbm>>
        %dma_start3A_101 = tpu.memref_slice %arg5[%mul3A_43] : memref<10000xf32, #tpu.memory_space<hbm>> -> memref<640xf32, #tpu.memory_space<hbm>>
        tpu.enqueue_dma source(%arg10 : memref<640xf32, #tpu.memory_space<vmem>>) target(%dma_start3A_101 : memref<640xf32, #tpu.memory_space<hbm>>) target_semaphore(%run_scoped3A : memref<!tpu.dma_semaphore, #tpu.memory_space<semaphore_mem>>)
        %dma_wait3A = tpu.memref_slice %arg5[%mul3A_43] : memref<10000xf32, #tpu.memory_space<hbm>> -> memref<640xf32, #tpu.memory_space<hbm>>
        %dma_wait3A_102 = tpu.memref_slice %arg5[%mul3A_43] : memref<10000xf32, #tpu.memory_space<hbm>> -> memref<640xf32, #tpu.memory_space<hbm>>
        tpu.wait_dma2 semaphore(%run_scoped3A : memref<!tpu.dma_semaphore, #tpu.memory_space<semaphore_mem>>) src(%arg10 : memref<640xf32, #tpu.memory_space<vmem>>) dst(%dma_wait3A_102 : memref<640xf32, #tpu.memory_space<hbm>>)
        tpu.yield
      }) : () -> ()
    } else {
    }
    %eq3A_77 = arith.constant 0 : i32
    %eq3A_78 = arith.cmpi eq, %arg0, %eq3A_77 : i32
    %eq3A_79 = arith.constant 15 : i32
    %eq3A_80 = arith.cmpi eq, %arg1, %eq3A_79 : i32
    %and3A_81 = arith.andi %eq3A_78, %eq3A_80 : i1
    %convert_element_type3A_82 = arith.extui %and3A_81 : i1 to i32
    %cond3A_83 = arith.constant 0 : i32
    %cond3A_84 = arith.cmpi ne, %convert_element_type3A_82, %cond3A_83 : i32
    scf.if %cond3A_84 {
      "tpu.region"() ({
        %run_scoped3A = tpu.sem_alloc : memref<!tpu.dma_semaphore, #tpu.memory_space<semaphore_mem>>
        %dma_start3A = arith.constant 0 : i32
        %dma_start3A_101 = tpu.memref_slice %arg4[%arg0, %mul3A_43, %dma_start3A] : memref<2x10000x128xf32, #tpu.memory_space<hbm>> -> memref<1x400x128xf32, #tpu.memory_space<hbm>>
        %dma_start3A_102 = tpu.memref_squeeze %dma_start3A_101 : memref<1x400x128xf32, #tpu.memory_space<hbm>> -> memref<400x128xf32, #tpu.memory_space<hbm>>
        %dma_start3A_103 = arith.constant 0 : i32
        %dma_start3A_104 = tpu.memref_slice %arg7[%mul3A_43, %dma_start3A_103] : memref<10000x128xf32, #tpu.memory_space<vmem_shared>> -> memref<400x128xf32, #tpu.memory_space<vmem_shared>>
        tpu.enqueue_dma source(%dma_start3A_104 : memref<400x128xf32, #tpu.memory_space<vmem_shared>>) target(%dma_start3A_102 : memref<400x128xf32, #tpu.memory_space<hbm>>) target_semaphore(%run_scoped3A : memref<!tpu.dma_semaphore, #tpu.memory_space<semaphore_mem>>)
        %dma_wait3A = arith.constant 0 : i32
        %dma_wait3A_105 = tpu.memref_slice %arg4[%arg0, %mul3A_43, %dma_wait3A] : memref<2x10000x128xf32, #tpu.memory_space<hbm>> -> memref<1x400x128xf32, #tpu.memory_space<hbm>>
        %dma_wait3A_106 = tpu.memref_squeeze %dma_wait3A_105 : memref<1x400x128xf32, #tpu.memory_space<hbm>> -> memref<400x128xf32, #tpu.memory_space<hbm>>
        %dma_wait3A_107 = arith.constant 0 : i32
        %dma_wait3A_108 = tpu.memref_slice %arg7[%mul3A_43, %dma_wait3A_107] : memref<10000x128xf32, #tpu.memory_space<vmem_shared>> -> memref<400x128xf32, #tpu.memory_space<vmem_shared>>
        tpu.wait_dma2 semaphore(%run_scoped3A : memref<!tpu.dma_semaphore, #tpu.memory_space<semaphore_mem>>) src(%dma_wait3A_108 : memref<400x128xf32, #tpu.memory_space<vmem_shared>>) dst(%dma_wait3A_106 : memref<400x128xf32, #tpu.memory_space<hbm>>)
        tpu.yield
      }) : () -> ()
      "tpu.region"() ({
        %run_scoped3A = tpu.sem_alloc : memref<!tpu.dma_semaphore, #tpu.memory_space<semaphore_mem>>
        %dma_start3A = arith.constant 0 : i32
        %dma_start3A_101 = tpu.memref_slice %arg10[%dma_start3A] : memref<640xf32, #tpu.memory_space<vmem>> -> memref<400xf32, #tpu.memory_space<vmem>>
        %dma_start3A_102 = tpu.memref_slice %arg8[%mul3A_43] : memref<10000xf32, #tpu.memory_space<vmem_shared>> -> memref<400xf32, #tpu.memory_space<vmem_shared>>
        %dma_start3A_103 = arith.constant 0 : i32
        %dma_start3A_104 = tpu.memref_slice %arg10[%dma_start3A_103] : memref<640xf32, #tpu.memory_space<vmem>> -> memref<400xf32, #tpu.memory_space<vmem>>
        %dma_start3A_105 = tpu.memref_slice %arg8[%mul3A_43] : memref<10000xf32, #tpu.memory_space<vmem_shared>> -> memref<400xf32, #tpu.memory_space<vmem_shared>>
        tpu.enqueue_dma source(%dma_start3A_105 : memref<400xf32, #tpu.memory_space<vmem_shared>>) target(%dma_start3A_104 : memref<400xf32, #tpu.memory_space<vmem>>) target_semaphore(%run_scoped3A : memref<!tpu.dma_semaphore, #tpu.memory_space<semaphore_mem>>)
        %dma_wait3A = arith.constant 0 : i32
        %dma_wait3A_106 = tpu.memref_slice %arg10[%dma_wait3A] : memref<640xf32, #tpu.memory_space<vmem>> -> memref<400xf32, #tpu.memory_space<vmem>>
        %dma_wait3A_107 = tpu.memref_slice %arg8[%mul3A_43] : memref<10000xf32, #tpu.memory_space<vmem_shared>> -> memref<400xf32, #tpu.memory_space<vmem_shared>>
        %dma_wait3A_108 = arith.constant 0 : i32
        %dma_wait3A_109 = tpu.memref_slice %arg10[%dma_wait3A_108] : memref<640xf32, #tpu.memory_space<vmem>> -> memref<400xf32, #tpu.memory_space<vmem>>
        %dma_wait3A_110 = tpu.memref_slice %arg8[%mul3A_43] : memref<10000xf32, #tpu.memory_space<vmem_shared>> -> memref<400xf32, #tpu.memory_space<vmem_shared>>
        tpu.wait_dma2 semaphore(%run_scoped3A : memref<!tpu.dma_semaphore, #tpu.memory_space<semaphore_mem>>) src(%dma_wait3A_110 : memref<400xf32, #tpu.memory_space<vmem_shared>>) dst(%dma_wait3A_109 : memref<400xf32, #tpu.memory_space<vmem>>)
        tpu.yield
      }) : () -> ()
      "tpu.region"() ({
        %run_scoped3A = tpu.sem_alloc : memref<!tpu.dma_semaphore, #tpu.memory_space<semaphore_mem>>
        %dma_start3A = arith.constant 0 : i32
        %dma_start3A_101 = tpu.memref_slice %arg10[%dma_start3A] : memref<640xf32, #tpu.memory_space<vmem>> -> memref<400xf32, #tpu.memory_space<vmem>>
        %dma_start3A_102 = tpu.memref_slice %arg5[%mul3A_43] : memref<10000xf32, #tpu.memory_space<hbm>> -> memref<400xf32, #tpu.memory_space<hbm>>
        %dma_start3A_103 = tpu.memref_slice %arg5[%mul3A_43] : memref<10000xf32, #tpu.memory_space<hbm>> -> memref<400xf32, #tpu.memory_space<hbm>>
        %dma_start3A_104 = arith.constant 0 : i32
        %dma_start3A_105 = tpu.memref_slice %arg10[%dma_start3A_104] : memref<640xf32, #tpu.memory_space<vmem>> -> memref<400xf32, #tpu.memory_space<vmem>>
        tpu.enqueue_dma source(%dma_start3A_105 : memref<400xf32, #tpu.memory_space<vmem>>) target(%dma_start3A_103 : memref<400xf32, #tpu.memory_space<hbm>>) target_semaphore(%run_scoped3A : memref<!tpu.dma_semaphore, #tpu.memory_space<semaphore_mem>>)
        %dma_wait3A = arith.constant 0 : i32
        %dma_wait3A_106 = tpu.memref_slice %arg10[%dma_wait3A] : memref<640xf32, #tpu.memory_space<vmem>> -> memref<400xf32, #tpu.memory_space<vmem>>
        %dma_wait3A_107 = tpu.memref_slice %arg5[%mul3A_43] : memref<10000xf32, #tpu.memory_space<hbm>> -> memref<400xf32, #tpu.memory_space<hbm>>
        %dma_wait3A_108 = tpu.memref_slice %arg5[%mul3A_43] : memref<10000xf32, #tpu.memory_space<hbm>> -> memref<400xf32, #tpu.memory_space<hbm>>
        %dma_wait3A_109 = arith.constant 0 : i32
        %dma_wait3A_110 = tpu.memref_slice %arg10[%dma_wait3A_109] : memref<640xf32, #tpu.memory_space<vmem>> -> memref<400xf32, #tpu.memory_space<vmem>>
        tpu.wait_dma2 semaphore(%run_scoped3A : memref<!tpu.dma_semaphore, #tpu.memory_space<semaphore_mem>>) src(%dma_wait3A_110 : memref<400xf32, #tpu.memory_space<vmem>>) dst(%dma_wait3A_108 : memref<400xf32, #tpu.memory_space<hbm>>)
        tpu.yield
      }) : () -> ()
    } else {
    }
    %eq3A_85 = arith.constant 1 : i32
    %eq3A_86 = arith.cmpi eq, %arg0, %eq3A_85 : i32
    %lt3A_87 = arith.constant 15 : i32
    %lt3A_88 = arith.cmpi slt, %arg1, %lt3A_87 : i32
    %and3A_89 = arith.andi %eq3A_86, %lt3A_88 : i1
    %convert_element_type3A_90 = arith.extui %and3A_89 : i1 to i32
    %cond3A_91 = arith.constant 0 : i32
    %cond3A_92 = arith.cmpi ne, %convert_element_type3A_90, %cond3A_91 : i32
    scf.if %cond3A_92 {
      "tpu.region"() ({
        %run_scoped3A = tpu.sem_alloc : memref<!tpu.dma_semaphore, #tpu.memory_space<semaphore_mem>>
        %dma_start3A = arith.constant 0 : i32
        %dma_start3A_101 = tpu.memref_slice %arg4[%arg0, %mul3A_43, %dma_start3A] : memref<2x10000x128xf32, #tpu.memory_space<hbm>> -> memref<1x640x128xf32, #tpu.memory_space<hbm>>
        %dma_start3A_102 = tpu.memref_squeeze %dma_start3A_101 : memref<1x640x128xf32, #tpu.memory_space<hbm>> -> memref<640x128xf32, #tpu.memory_space<hbm>>
        %dma_start3A_103 = arith.constant 0 : i32
        %dma_start3A_104 = tpu.memref_slice %arg7[%mul3A_43, %dma_start3A_103] : memref<10000x128xf32, #tpu.memory_space<vmem_shared>> -> memref<640x128xf32, #tpu.memory_space<vmem_shared>>
        tpu.enqueue_dma source(%dma_start3A_104 : memref<640x128xf32, #tpu.memory_space<vmem_shared>>) target(%dma_start3A_102 : memref<640x128xf32, #tpu.memory_space<hbm>>) target_semaphore(%run_scoped3A : memref<!tpu.dma_semaphore, #tpu.memory_space<semaphore_mem>>)
        %dma_wait3A = arith.constant 0 : i32
        %dma_wait3A_105 = tpu.memref_slice %arg4[%arg0, %mul3A_43, %dma_wait3A] : memref<2x10000x128xf32, #tpu.memory_space<hbm>> -> memref<1x640x128xf32, #tpu.memory_space<hbm>>
        %dma_wait3A_106 = tpu.memref_squeeze %dma_wait3A_105 : memref<1x640x128xf32, #tpu.memory_space<hbm>> -> memref<640x128xf32, #tpu.memory_space<hbm>>
        %dma_wait3A_107 = arith.constant 0 : i32
        %dma_wait3A_108 = tpu.memref_slice %arg7[%mul3A_43, %dma_wait3A_107] : memref<10000x128xf32, #tpu.memory_space<vmem_shared>> -> memref<640x128xf32, #tpu.memory_space<vmem_shared>>
        tpu.wait_dma2 semaphore(%run_scoped3A : memref<!tpu.dma_semaphore, #tpu.memory_space<semaphore_mem>>) src(%dma_wait3A_108 : memref<640x128xf32, #tpu.memory_space<vmem_shared>>) dst(%dma_wait3A_106 : memref<640x128xf32, #tpu.memory_space<hbm>>)
        tpu.yield
      }) : () -> ()
      "tpu.region"() ({
        %run_scoped3A = tpu.sem_alloc : memref<!tpu.dma_semaphore, #tpu.memory_space<semaphore_mem>>
        %dma_start3A = tpu.memref_slice %arg8[%mul3A_43] : memref<10000xf32, #tpu.memory_space<vmem_shared>> -> memref<640xf32, #tpu.memory_space<vmem_shared>>
        %dma_start3A_101 = tpu.memref_slice %arg8[%mul3A_43] : memref<10000xf32, #tpu.memory_space<vmem_shared>> -> memref<640xf32, #tpu.memory_space<vmem_shared>>
        tpu.enqueue_dma source(%dma_start3A_101 : memref<640xf32, #tpu.memory_space<vmem_shared>>) target(%arg10 : memref<640xf32, #tpu.memory_space<vmem>>) target_semaphore(%run_scoped3A : memref<!tpu.dma_semaphore, #tpu.memory_space<semaphore_mem>>)
        %dma_wait3A = tpu.memref_slice %arg8[%mul3A_43] : memref<10000xf32, #tpu.memory_space<vmem_shared>> -> memref<640xf32, #tpu.memory_space<vmem_shared>>
        %dma_wait3A_102 = tpu.memref_slice %arg8[%mul3A_43] : memref<10000xf32, #tpu.memory_space<vmem_shared>> -> memref<640xf32, #tpu.memory_space<vmem_shared>>
        tpu.wait_dma2 semaphore(%run_scoped3A : memref<!tpu.dma_semaphore, #tpu.memory_space<semaphore_mem>>) src(%dma_wait3A_102 : memref<640xf32, #tpu.memory_space<vmem_shared>>) dst(%arg10 : memref<640xf32, #tpu.memory_space<vmem>>)
        tpu.yield
      }) : () -> ()
      "tpu.region"() ({
        %run_scoped3A = tpu.sem_alloc : memref<!tpu.dma_semaphore, #tpu.memory_space<semaphore_mem>>
        %dma_start3A = tpu.memref_slice %arg6[%mul3A_43] : memref<10000xf32, #tpu.memory_space<hbm>> -> memref<640xf32, #tpu.memory_space<hbm>>
        %dma_start3A_101 = tpu.memref_slice %arg6[%mul3A_43] : memref<10000xf32, #tpu.memory_space<hbm>> -> memref<640xf32, #tpu.memory_space<hbm>>
        tpu.enqueue_dma source(%arg10 : memref<640xf32, #tpu.memory_space<vmem>>) target(%dma_start3A_101 : memref<640xf32, #tpu.memory_space<hbm>>) target_semaphore(%run_scoped3A : memref<!tpu.dma_semaphore, #tpu.memory_space<semaphore_mem>>)
        %dma_wait3A = tpu.memref_slice %arg6[%mul3A_43] : memref<10000xf32, #tpu.memory_space<hbm>> -> memref<640xf32, #tpu.memory_space<hbm>>
        %dma_wait3A_102 = tpu.memref_slice %arg6[%mul3A_43] : memref<10000xf32, #tpu.memory_space<hbm>> -> memref<640xf32, #tpu.memory_space<hbm>>
        tpu.wait_dma2 semaphore(%run_scoped3A : memref<!tpu.dma_semaphore, #tpu.memory_space<semaphore_mem>>) src(%arg10 : memref<640xf32, #tpu.memory_space<vmem>>) dst(%dma_wait3A_102 : memref<640xf32, #tpu.memory_space<hbm>>)
        tpu.yield
      }) : () -> ()
    } else {
    }
    %eq3A_93 = arith.constant 1 : i32
    %eq3A_94 = arith.cmpi eq, %arg0, %eq3A_93 : i32
    %eq3A_95 = arith.constant 15 : i32
    %eq3A_96 = arith.cmpi eq, %arg1, %eq3A_95 : i32
    %and3A_97 = arith.andi %eq3A_94, %eq3A_96 : i1
    %convert_element_type3A_98 = arith.extui %and3A_97 : i1 to i32
    %cond3A_99 = arith.constant 0 : i32
    %cond3A_100 = arith.cmpi ne, %convert_element_type3A_98, %cond3A_99 : i32
    scf.if %cond3A_100 {
      "tpu.region"() ({
        %run_scoped3A = tpu.sem_alloc : memref<!tpu.dma_semaphore, #tpu.memory_space<semaphore_mem>>
        %dma_start3A = arith.constant 0 : i32
        %dma_start3A_101 = tpu.memref_slice %arg4[%arg0, %mul3A_43, %dma_start3A] : memref<2x10000x128xf32, #tpu.memory_space<hbm>> -> memref<1x400x128xf32, #tpu.memory_space<hbm>>
        %dma_start3A_102 = tpu.memref_squeeze %dma_start3A_101 : memref<1x400x128xf32, #tpu.memory_space<hbm>> -> memref<400x128xf32, #tpu.memory_space<hbm>>
        %dma_start3A_103 = arith.constant 0 : i32
        %dma_start3A_104 = tpu.memref_slice %arg7[%mul3A_43, %dma_start3A_103] : memref<10000x128xf32, #tpu.memory_space<vmem_shared>> -> memref<400x128xf32, #tpu.memory_space<vmem_shared>>
        tpu.enqueue_dma source(%dma_start3A_104 : memref<400x128xf32, #tpu.memory_space<vmem_shared>>) target(%dma_start3A_102 : memref<400x128xf32, #tpu.memory_space<hbm>>) target_semaphore(%run_scoped3A : memref<!tpu.dma_semaphore, #tpu.memory_space<semaphore_mem>>)
        %dma_wait3A = arith.constant 0 : i32
        %dma_wait3A_105 = tpu.memref_slice %arg4[%arg0, %mul3A_43, %dma_wait3A] : memref<2x10000x128xf32, #tpu.memory_space<hbm>> -> memref<1x400x128xf32, #tpu.memory_space<hbm>>
        %dma_wait3A_106 = tpu.memref_squeeze %dma_wait3A_105 : memref<1x400x128xf32, #tpu.memory_space<hbm>> -> memref<400x128xf32, #tpu.memory_space<hbm>>
        %dma_wait3A_107 = arith.constant 0 : i32
        %dma_wait3A_108 = tpu.memref_slice %arg7[%mul3A_43, %dma_wait3A_107] : memref<10000x128xf32, #tpu.memory_space<vmem_shared>> -> memref<400x128xf32, #tpu.memory_space<vmem_shared>>
        tpu.wait_dma2 semaphore(%run_scoped3A : memref<!tpu.dma_semaphore, #tpu.memory_space<semaphore_mem>>) src(%dma_wait3A_108 : memref<400x128xf32, #tpu.memory_space<vmem_shared>>) dst(%dma_wait3A_106 : memref<400x128xf32, #tpu.memory_space<hbm>>)
        tpu.yield
      }) : () -> ()
      "tpu.region"() ({
        %run_scoped3A = tpu.sem_alloc : memref<!tpu.dma_semaphore, #tpu.memory_space<semaphore_mem>>
        %dma_start3A = arith.constant 0 : i32
        %dma_start3A_101 = tpu.memref_slice %arg10[%dma_start3A] : memref<640xf32, #tpu.memory_space<vmem>> -> memref<400xf32, #tpu.memory_space<vmem>>
        %dma_start3A_102 = tpu.memref_slice %arg8[%mul3A_43] : memref<10000xf32, #tpu.memory_space<vmem_shared>> -> memref<400xf32, #tpu.memory_space<vmem_shared>>
        %dma_start3A_103 = arith.constant 0 : i32
        %dma_start3A_104 = tpu.memref_slice %arg10[%dma_start3A_103] : memref<640xf32, #tpu.memory_space<vmem>> -> memref<400xf32, #tpu.memory_space<vmem>>
        %dma_start3A_105 = tpu.memref_slice %arg8[%mul3A_43] : memref<10000xf32, #tpu.memory_space<vmem_shared>> -> memref<400xf32, #tpu.memory_space<vmem_shared>>
        tpu.enqueue_dma source(%dma_start3A_105 : memref<400xf32, #tpu.memory_space<vmem_shared>>) target(%dma_start3A_104 : memref<400xf32, #tpu.memory_space<vmem>>) target_semaphore(%run_scoped3A : memref<!tpu.dma_semaphore, #tpu.memory_space<semaphore_mem>>)
        %dma_wait3A = arith.constant 0 : i32
        %dma_wait3A_106 = tpu.memref_slice %arg10[%dma_wait3A] : memref<640xf32, #tpu.memory_space<vmem>> -> memref<400xf32, #tpu.memory_space<vmem>>
        %dma_wait3A_107 = tpu.memref_slice %arg8[%mul3A_43] : memref<10000xf32, #tpu.memory_space<vmem_shared>> -> memref<400xf32, #tpu.memory_space<vmem_shared>>
        %dma_wait3A_108 = arith.constant 0 : i32
        %dma_wait3A_109 = tpu.memref_slice %arg10[%dma_wait3A_108] : memref<640xf32, #tpu.memory_space<vmem>> -> memref<400xf32, #tpu.memory_space<vmem>>
        %dma_wait3A_110 = tpu.memref_slice %arg8[%mul3A_43] : memref<10000xf32, #tpu.memory_space<vmem_shared>> -> memref<400xf32, #tpu.memory_space<vmem_shared>>
        tpu.wait_dma2 semaphore(%run_scoped3A : memref<!tpu.dma_semaphore, #tpu.memory_space<semaphore_mem>>) src(%dma_wait3A_110 : memref<400xf32, #tpu.memory_space<vmem_shared>>) dst(%dma_wait3A_109 : memref<400xf32, #tpu.memory_space<vmem>>)
        tpu.yield
      }) : () -> ()
      "tpu.region"() ({
        %run_scoped3A = tpu.sem_alloc : memref<!tpu.dma_semaphore, #tpu.memory_space<semaphore_mem>>
        %dma_start3A = arith.constant 0 : i32
        %dma_start3A_101 = tpu.memref_slice %arg10[%dma_start3A] : memref<640xf32, #tpu.memory_space<vmem>> -> memref<400xf32, #tpu.memory_space<vmem>>
        %dma_start3A_102 = tpu.memref_slice %arg6[%mul3A_43] : memref<10000xf32, #tpu.memory_space<hbm>> -> memref<400xf32, #tpu.memory_space<hbm>>
        %dma_start3A_103 = tpu.memref_slice %arg6[%mul3A_43] : memref<10000xf32, #tpu.memory_space<hbm>> -> memref<400xf32, #tpu.memory_space<hbm>>
        %dma_start3A_104 = arith.constant 0 : i32
        %dma_start3A_105 = tpu.memref_slice %arg10[%dma_start3A_104] : memref<640xf32, #tpu.memory_space<vmem>> -> memref<400xf32, #tpu.memory_space<vmem>>
        tpu.enqueue_dma source(%dma_start3A_105 : memref<400xf32, #tpu.memory_space<vmem>>) target(%dma_start3A_103 : memref<400xf32, #tpu.memory_space<hbm>>) target_semaphore(%run_scoped3A : memref<!tpu.dma_semaphore, #tpu.memory_space<semaphore_mem>>)
        %dma_wait3A = arith.constant 0 : i32
        %dma_wait3A_106 = tpu.memref_slice %arg10[%dma_wait3A] : memref<640xf32, #tpu.memory_space<vmem>> -> memref<400xf32, #tpu.memory_space<vmem>>
        %dma_wait3A_107 = tpu.memref_slice %arg6[%mul3A_43] : memref<10000xf32, #tpu.memory_space<hbm>> -> memref<400xf32, #tpu.memory_space<hbm>>
        %dma_wait3A_108 = tpu.memref_slice %arg6[%mul3A_43] : memref<10000xf32, #tpu.memory_space<hbm>> -> memref<400xf32, #tpu.memory_space<hbm>>
        %dma_wait3A_109 = arith.constant 0 : i32
        %dma_wait3A_110 = tpu.memref_slice %arg10[%dma_wait3A_109] : memref<640xf32, #tpu.memory_space<vmem>> -> memref<400xf32, #tpu.memory_space<vmem>>
        tpu.wait_dma2 semaphore(%run_scoped3A : memref<!tpu.dma_semaphore, #tpu.memory_space<semaphore_mem>>) src(%dma_wait3A_110 : memref<400xf32, #tpu.memory_space<vmem>>) dst(%dma_wait3A_108 : memref<400xf32, #tpu.memory_space<hbm>>)
        tpu.yield
      }) : () -> ()
    } else {
    }
    return
  }
}

module attributes {stable_mosaic.version = 14 : i64} {
  func.func @_div_body(%arg0: memref<2x10000x128xf32, #tpu.memory_space<vmem>>, %arg1: memref<10000xf32, #tpu.memory_space<vmem>>, %arg2: memref<10000xf32, #tpu.memory_space<vmem>>, %arg3: memref<10000x128xf32, #tpu.memory_space<vmem>>) attributes {dimension_semantics = [], scalar_prefetch = 0 : i64, scratch_operands = 0 : i64, tpu.core_type = #tpu.core_type<tc>} {
    %get3A = arith.constant 0 : index
    %get3A_0 = arith.constant 0 : index
    %get3A_1 = arith.constant 0 : index
    %get3A_2 = vector.load %arg0[%get3A, %get3A_0, %get3A_1] : memref<2x10000x128xf32, #tpu.memory_space<vmem>>, vector<1x10000x128xf32>
    %get3A_3 = vector.shape_cast %get3A_2 : vector<1x10000x128xf32> to vector<10000x128xf32>
    %get3A_4 = arith.constant 1 : index
    %get3A_5 = arith.constant 0 : index
    %get3A_6 = arith.constant 0 : index
    %get3A_7 = vector.load %arg0[%get3A_4, %get3A_5, %get3A_6] : memref<2x10000x128xf32, #tpu.memory_space<vmem>>, vector<1x10000x128xf32>
    %get3A_8 = vector.shape_cast %get3A_7 : vector<1x10000x128xf32> to vector<10000x128xf32>
    %add3A = arith.addf %get3A_3, %get3A_8 : vector<10000x128xf32>
    %get3A_9 = arith.constant 0 : index
    %get3A_10 = vector.load %arg1[%get3A_9] : memref<10000xf32, #tpu.memory_space<vmem>>, vector<10000xf32>
    %get3A_11 = arith.constant 0 : index
    %get3A_12 = vector.load %arg2[%get3A_11] : memref<10000xf32, #tpu.memory_space<vmem>>, vector<10000xf32>
    %add3A_13 = arith.addf %get3A_10, %get3A_12 : vector<10000xf32>
    %max3A = arith.constant 1.000000e+00 : f32
    %max3A_14 = vector.broadcast %max3A : f32 to vector<10000xf32>
    %max3A_15 = arith.maximumf %add3A_13, %max3A_14 : vector<10000xf32>
    %broadcast_in_dim3A = vector.shape_cast %max3A_15 : vector<10000xf32> to vector<10000x1xf32>
    %div3A = vector.broadcast %broadcast_in_dim3A : vector<10000x1xf32> to vector<10000x128xf32>
    %div3A_16 = arith.divf %add3A, %div3A : vector<10000x128xf32>
    %swap3A = arith.constant 0 : index
    %swap3A_17 = arith.constant 0 : index
    %swap3A_18 = vector.load %arg3[%swap3A, %swap3A_17] : memref<10000x128xf32, #tpu.memory_space<vmem>>, vector<10000x128xf32>
    tpu.vector_store %arg3[%swap3A, %swap3A_17], %div3A_16 {strides = array<i32>} : memref<10000x128xf32, #tpu.memory_space<vmem>>, vector<10000x128xf32>,
    return
  }
}

</mosaic_0001>

<sc_bundles>
// kernel: kernel.4.cloned.1.call-start
scs
__scs_entry_jumppad:
0x0: {  	(pc) =	sbr.rel $0x88, $3  }
0x1: {  	(tag) =	ssettag $0x0;
	lr =	simm.s32 $0x1  }
0x2: {  	[smem:$0x3F9F] =	sst lr;
	_ =	strace $0xD0000000  }
0x3: {  	_ = 	snop  }
0x4: {  	_ = 	snop  }
0x5: {  	_ = 	snop  }
0x6: {  	_ = 	snop  }
0x7: {  	_ = 	snop  }
__scs_overlays_trampoline_lowered:
0x8: {  	[smem:$0x3FAE] =	sst s0  }
0x9: {  	[smem:$0x3FAF] =	sst s1  }
0xa: {  	[smem:$0x3FB0] =	sst s2  }
0xb: {  	[smem:$0x3FB1] =	sst s3  }
0xc: {  	[smem:$0x3FB2] =	sst s4  }
0xd: {  	[smem:$0x3FB3] =	sst s5  }
0xe: {  	[smem:$0x3FB4] =	sst s6  }
0xf: {  	[smem:$0x3FB5] =	sst s7  }
0x10: {  	[smem:$0x3FB6] =	sst s8  }
0x11: {  	[smem:$0x3FB7] =	sst s9;
	s0 =	simm.s32 @!p0 $0x0  }
0x12: {  	s1 =	sld [smem:$0x3F9D];
	s0 =	simm.s32 @p0 $0x1  }
0x13: {  	[smem:$0x3FB8] =	sst s0;
	s0 =	simm.s32 @!p1 $0x0  }
0x14: {  	s2 =	sld [smem:$0x3F9C];
	s0 =	simm.s32 @p1 $0x1  }
0x15: {  	[smem:$0x3FB9] =	sst s0;
	s0 =	simm.s32 @!p2 $0x0  }
0x16: {  	s3 =	sld [smem:$0x3FDB];
	s0 =	simm.s32 @p2 $0x1  }
0x17: {  	s4 =	simm.s32 $0x1BF5;
	[smem:$0x3FBB] =	sst s0  }
0x18: {  	s0 =	sld [smem:$0x3F9E];
	_ =	swait.ge [sflag:s4], $0x0  }
0x19: {  	s7 =	sld [smem:$0x3F9F]  }
0x1a: {  	s8 =	sadd.s32 $0xFFFFE003, lr  }
0x1b: {  	s9 =	sadd.s32 $0xFFFFFEF7, lr;
	s5 =	simm.s32 $0xFFFFFFFF;
	p2 =	slt.u32 s8, $0xFFFFF086  }
0x1c: {  	p1 =	slt.u32 s9, $0xF7A;
	s5 =	simm.s32 @!p2 $0x0  }
0x1d: {  	s5 =	simm.s32 @p1 $0x1;
	p0 =	seq.s32 s7, s2  }
0x1e: {  	s7 =	smul.u32 @!p0 $0xF7A, s2;
	p2 =	seq.s32 @!p0 s5, $0x0  }
0x1f: {  	s9 =	smul.u32 $0xF7A, s1;
	s8 =	simm.s32 @!p0 $0x1BF5;
	p2 =	por !p2, p0  }
0x20: {  	[sflag:s8] =	ssyncset.s32 @!p0 $0xFFFFF086;
	s6 =	sadd.s32 @!p0 s3, s7;
	s7 =	simm.s32 @!p0 $0x108  }
0x21: {  	s3 =	sadd.s32 s3, s9;
	s6 =	sadd.s32 @!p0 $0x88, s6;
	s7 =	simm.s32 @p2 $0x1082  }
0x22: {  	[simem:s7], [sflag:s8] =	dma.local @!p0 [hbm:s6], $0xF7A  }
0x23: {  	s9 =	sor.u32 $0xD0000000, s2;
	s6 =	simm.s32 $0x108;
	_ =	swait.ge @!p0 [sflag:s8], $0x0  }
0x24: {  	s3 =	sadd.s32 $0x88, s3;
	s6 =	simm.s32 @!p1 $0x1082;
	[sflag:s4] =	ssyncset.s32 $0xFFFFF086  }
0x25: {  	[simem:s6], [sflag:s4] =	dma.local [hbm:s3], $0xF7A  }
0x26: {  	[smem:$0x3F9F] =	sst s1;
	(tag) =	ssettag s2;
	_ =	strace s9  }
0x27: {  	s1 =	sld [smem:$0x3FAF]  }
0x28: {  	s2 =	sld [smem:$0x3FB0]  }
0x29: {  	s4 =	sld [smem:$0x3FB2]  }
0x2a: {  	p0 =	seq.s32 s5, $0x0;
	s5 =	sld [smem:$0x3FB3]  }
0x2b: {  	s6 =	sld [smem:$0x3FB4]  }
0x2c: {  	s7 =	sld [smem:$0x3FB5]  }
0x2d: {  	s3 =	simm.s32 $0x108;
	s8 =	sld [smem:$0x3FB6]  }
0x2e: {  	s3 =	simm.s32 @!p0 $0x1082;
	s9 =	sld [smem:$0x3FB7]  }
0x2f: {  	lr =	sadd.s32 s0, s3;
	s0 =	sld [smem:$0x3FAE]  }
0x30: {  	s3 =	sld [smem:$0x3FB1]  }
0x31: {  	[smem:$0x3FBA] =	sst s10  }
0x32: {  	s10 =	sld [smem:$0x3FB8];
	_ =	sdelay $0x3  }
0x33: {  	p0 =	seq.s32 s10, $0x1;
	s10 =	sld [smem:$0x3FBA];
	_ =	sdelay $0x3  }
0x34: {  	[smem:$0x3FBA] =	sst s10  }
0x35: {  	s10 =	sld [smem:$0x3FB9];
	_ =	sdelay $0x3  }
0x36: {  	p1 =	seq.s32 s10, $0x1;
	s10 =	sld [smem:$0x3FBA];
	_ =	sdelay $0x3  }
0x37: {  	[smem:$0x3FBA] =	sst s10  }
0x38: {  	s10 =	sld [smem:$0x3FBB]  }
0x39: {  	_ = 	snop;
	(pc) =	sbr.ind lr, $3  }
0x3a: {  	_ = 	snop  }
0x3b: {  	_ = 	snop  }
0x3c: {  	p2 =	seq.s32 s10, $0x1;
	s10 =	sld [smem:$0x3FBA]  }
0x3d: {  	_ =	shalt  }
0x3e: {  	_ =	shalt  }
0x3f: {  	_ =	shalt  }
0x40: {  	_ =	shalt  }
0x41: {  	_ =	shalt  }
0x42: {  	_ =	shalt  }
0x43: {  	_ =	shalt  }
0x44: {  	_ =	shalt  }
0x45: {  	_ =	shalt  }
0x46: {  	_ =	shalt  }
0x47: {  	_ =	shalt  }
0x48: {  	_ =	shalt  }
0x49: {  	_ =	shalt  }
0x4a: {  	_ =	shalt  }
0x4b: {  	_ =	shalt  }
0x4c: {  	_ =	shalt  }
0x4d: {  	_ =	shalt  }
0x4e: {  	_ =	shalt  }
0x4f: {  	_ =	shalt  }
0x50: {  	_ =	shalt  }
0x51: {  	_ =	shalt  }
0x52: {  	_ =	shalt  }
0x53: {  	_ =	shalt  }
0x54: {  	_ =	shalt  }
0x55: {  	_ =	shalt  }
0x56: {  	_ =	shalt  }
0x57: {  	_ =	shalt  }
0x58: {  	_ =	shalt  }
0x59: {  	_ =	shalt  }
0x5a: {  	_ =	shalt  }
0x5b: {  	_ =	shalt  }
0x5c: {  	_ =	shalt  }
0x5d: {  	_ =	shalt  }
0x5e: {  	_ =	shalt  }
0x5f: {  	_ =	shalt  }
0x60: {  	_ =	shalt  }
0x61: {  	_ =	shalt  }
0x62: {  	_ =	shalt  }
0x63: {  	_ =	shalt  }
0x64: {  	_ =	shalt  }
0x65: {  	_ =	shalt  }
0x66: {  	_ =	shalt  }
0x67: {  	_ =	shalt  }
0x68: {  	_ =	shalt  }
0x69: {  	_ =	shalt  }
0x6a: {  	_ =	shalt  }
0x6b: {  	_ =	shalt  }
0x6c: {  	_ =	shalt  }
0x6d: {  	_ =	shalt  }
0x6e: {  	_ =	shalt  }
0x6f: {  	_ =	shalt  }
0x70: {  	_ =	shalt  }
0x71: {  	_ =	shalt  }
0x72: {  	_ =	shalt  }
0x73: {  	_ =	shalt  }
0x74: {  	_ =	shalt  }
0x75: {  	_ =	shalt  }
0x76: {  	_ =	shalt  }
0x77: {  	_ =	shalt  }
0x78: {  	_ =	shalt  }
0x79: {  	_ =	shalt  }
0x7a: {  	_ =	shalt  }
0x7b: {  	_ =	shalt  }
0x7c: {  	_ =	shalt  }
0x7d: {  	_ =	shalt  }
0x7e: {  	_ =	shalt  }
0x7f: {  	_ =	shalt  }
0x80: {  	_ =	shalt  }
0x81: {  	_ =	shalt  }
0x82: {  	_ =	shalt  }
0x83: {  	_ =	shalt  }
0x84: {  	_ =	shalt  }
0x85: {  	_ =	shalt  }
0x86: {  	_ =	shalt  }
0x87: {  	_ =	shalt  }
.Lfunc_end0:
.L_simem_size_0:
called_computation_lowered:
.L_overlay_start_0:
0x88: {  	s2 =	sld [smem:$0x3FD9]  }
0x89: {  	s3 =	sld [smem:$0x3FFE];
	_ =	sdelay $0x1  }
0x8a: {  	s1 =	srdreg.scid  }
0x8b: {  	s0 =	sand.u32 $0x1, s1  }
0x8c: {  	s17 =	sshll.u32 s0, $0xA;
	s2 =	sadd.s32 s3, s2  }
0x8d: {  	s2 =	sadd.s32 s2, s17  }
0x8e: {  	[smem:$0x3FC6] =	sst s2  }
0x8f: {  	_ = 	snop  }
0x90: {  	s2 =	sld [smem:$0x3FC9]  }
0x91: {  	s18 =	sld [smem:$0x3FC8]  }
0x92: {  	s4 =	sld [smem:$0x3FD0];
	(tm) =	ssettm $0x1  }
0x93: {  	s5 =	sld [smem:$0x3FFB];
	_ =	sdelay $0x3  }
0x94: {  	_ =	strace s5  }
0x95: {  	s5 =	sld [smem:$0x3FFC];
	_ =	sdelay $0x3  }
0x96: {  	_ =	strace s5  }
0x97: {  	s5 =	sld [smem:$0x3FFD];
	_ =	sdelay $0x3  }
0x98: {  	_ =	strace s5  }
0x99: {  	_ =	strace $0x8FFFFFFF  }
0x9a: {  	s19 =	sld [smem:$0x3FDB];
	_ =	sdelay $0x1  }
0x9b: {  	s6 =	simm.s32 $_scs_section_size  }
0x9c: {  	s7 =	simm.s32 $_size__tile_overlayer_lowered;
	s8 =	simm.s32 $_tile_overlayer_lowered  }
0x9d: {  	s22 =	simm.s32 $0x1BFF;
	s21 =	sshll.u32 s8, $0x1;
	s5 =	sadd.s32 s6, s19  }
0x9e: {  	s9 =	simm.s32 $0x0;
	s20 =	sshll.u32 s7, $0x1;
	s7 =	sadd.s32 s21, s5  }
0x9f: {  	[timem:s9], [sflag:s22] =	dma.local [hbm:s7], s20  }
0xa0: {  	_ =	swait.ge [sflag:s22], s20  }
0xa1: {  	s6 =	ssub.s32 $0x0, s20;
	[sflag:s22] =	ssyncset.done $0x0  }
0xa2: {  	[sflag:s22] =	ssyncadd.s32 s6;
	_ =	sdelay $0x1  }
0xa3: {  	s23 =	simm.s32 $0x1B8B  }
0xa4: {  	_ =	swait.ge [sflag:s23], $0x1  }
0xa5: {  	[sflag:s23] =	ssyncset.done $0x0  }
0xa6: {  	s25 =	simm.s32 $0x1B8E;
	s24 =	sld [smem:$0x3FFE];
	[sflag:s23] =	ssyncadd.s32 $0xFFFFFFFF  }
0xa7: {  	s26 =	simm.s32 $execute0_lowered;
	[smem:$0x3FD2] =	sst s25  }
0xa8: {  	s7 =	sshll.u32 s26, $0x1;
	_ =	strace $0x80000046;
	[dreg:$0x1] =	wrdreg $0xFFFFFFFF  }
0xa9: {  	s28 =	simm.s32 $_size_execute0_lowered;
	s5 =	sadd.s32 s5, s7;
	[dreg:$0x0] =	wrdreg $0x0  }
0xaa: {  	s7 =	sshll.u32 s28, $0x1;
	[dreg:$0x2] =	wrdreg s5  }
0xab: {  	[dreg:$0x3] =	wrdreg s7  }
0xac: {  	[dreg:$0x4] =	wrdreg $0xC0  }
0xad: {  	_ =	task [dreg:s9], $0x5FFFF  }
0xae: {  	[dreg:$0x1] =	wrdreg $0xFFFFFFFF  }
0xaf: {  	[dreg:$0x0] =	wrdreg $0x60  }
0xb0: {  	[dreg:$0x2] =	wrdreg s2  }
0xb1: {  	[dreg:$0x3] =	wrdreg s18  }
0xb2: {  	[dreg:$0x4] =	wrdreg s24  }
0xb3: {  	[dreg:$0x5] =	wrdreg s4  }
0xb4: {  	[dreg:$0x6] =	wrdreg $0x0  }
0xb5: {  	[dreg:$0x7] =	wrdreg $0x138800  }
0xb6: {  	[dreg:$0x8] =	wrdreg $0x9  }
0xb7: {  	_ =	task.clear_ibuf [dreg:s9], $0x9FFFF;
	_ =	strace $0x90000046  }
0xb8: {  	s29 =	simm.s32 $0x9;
	_ =	strace $0x80000048  }
0xb9: {  	_ =	swait.ge [sflag:s29], $0x1  }
0xba: {  	[sflag:s29] =	ssyncadd.s32 $0xFFFFFFFF  }
0xbb: {  	_ =	strace $0x90000048  }
0xbc: {  	_ =	sfence  }
0xbd: {  	s30 =	sld [smem:$0x0];
	_ =	sdelay $0x2  }
0xbe: {  	s31 =	sshll.u32 s1, $0xD;
	s1 =	sshrl.u32 s1, $0x2  }
0xbf: {  	s3 =	sand.u32 $0x4000, s31;
	s1 =	sadd.s32 s1, s30  }
0xc0: {  	s0 =	sor.u32 s3, s0;
	s1 =	sshll.u32 s1, $0x11  }
0xc1: {  	s0 =	sor.u32 s1, s0  }
0xc2: {  	s0 =	sadd.s32 $0x8F2B, s0  }
0xc3: {  	[sflag:s0] =	ssyncadd.remote.s32 $0x1  }
0xc4: {  	_ =	sfence.sel $0xFFFF  }
0xc5: {  	[dreg:$0x0] =	wrdreg $0xFFFFFFFF;
	(pc) =	sbr.abs _section_cstart, $3  }
0xc6: {  	[dreg:$0x1] =	wrdreg $0xFFFFFFFF  }
0xc7: {  	_ =	task.clear_ibuf [dreg:s9], $0x2FFFF;
	_ =	strace $0x9FFFFFFF  }
0xc8: {  	(tm) =	ssettm $0x7FFFFFFF  }
0xc9: {  	_ =	shalt  }
tec
execute0_lowered:
.L_overlay_start_1:
0x0: {  	(tag) =	ssettag $0x1  }
0x1: {  	s1 =	rddreg [dreg:$0x0]  }
0x2: {  	s2 =	rddreg [dreg:$0x1]  }
0x3: {  	s0 =	rddreg [dreg:$0x2]  }
0x4: {  	s14 =	rddreg [dreg:$0x3]  }
0x5: {  	s4 =	rddreg [dreg:$0x4]  }
0x6: {  	s5 =	rddreg [dreg:$0x5]  }
0x7: {  	s3 =	simm.s32 $0x0;
	s19 =	srdreg.scid;
	s18 =	stileid.u32  }
0x8: {  	s16 =	simm.s32 $0x4F;
	[smem:$0x7FF] =	sst s3;
	s3 =	sand.u32 $0x1, s19  }
0x9: {  	s6 =	sadd.s32 $0xE00, s0;
	s19 =	sadd.s32 $0x4F000, s0;
	p0 =	seq.s32 s18, $0xF  }
0xa: {  	p4 =	sne.s32 s18, $0xF;
	s20 =	sadd.s32 $0x12C000, s4;
	s21 =	sadd.s32 $0x12E000, s4  }
0xb: {  	s22 =	sadd.s32 $0x130000, s4;
	_ =	strace $0x80000047;
	[dreg:$0x8] =	wrdreg s20  }
0xc: {  	s23 =	sadd.s32 $0x132000, s4;
	s24 =	smul.u32 $0x50000, s18;
	[dreg:$0x9] =	wrdreg s21  }
0xd: {  	s25 =	sadd.s32 $0x134000, s4;
	s30 =	smul.u32 $0x2800, s18;
	[dreg:$0xa] =	wrdreg s22  }
0xe: {  	s31 =	smul.u32 $0x14000, s18;
	s7 =	ssub.s32 $0x2, s3;
	[dreg:$0xb] =	wrdreg s23  }
0xf: {  	s9 =	sshll.u32 s3, $0x4;
	[dreg:$0xc] =	wrdreg s25;
	p3 =	seq.s32 s3, $0x0  }
0x10: {  	p5 =	seq.s32 s3, $0x1;
	[dreg:$0x7] =	wrdreg s19;
	s20 =	sadd.s32 $0x136000, s4  }
0x11: {  	s21 =	sadd.s32 $0x138000, s4;
	s8 =	sshrl.u32 s7, $0x1;
	s10 =	sor.u32 s18, s9  }
0x12: {  	p2 =	por !p3, !p4;
	s3 =	sshrl.u32 s31, $0x3;
	s9 =	sadd.s32 $0x4D700, s0  }
0x13: {  	[dreg:$0x15] =	wrdreg s20;
	s7 =	ssub.s32 s7, s8;
	s8 =	smul.u32 $0x280, s18  }
0x14: {  	p6 =	por !p4, !p5;
	[dreg:$0x16] =	wrdreg s21;
	s11 =	smul.u32 $0x4E, s10  }
0x15: {  	s20 =	simm.s32 $0x0;
	s13 =	smul.u32 $0x4F, s10;
	p1 =	slt.u32 s10, $0x4  }
0x16: {  	s10 =	sshrl.u32 s24, $0x2;
	p2 =	por !p2, !p2;
	s3 =	sadd.s32 s6, s3  }
0x17: {  	s17 =	sadd.s32 s10, s4;
	s16 =	simm.s32 @!p1 $0x4E;
	s3 =	sadd.s32 $0x27100, s3  }
0x18: {  	s12 =	sadd.s32 $0x4, s11;
	[dreg:$0x12] =	wrdreg s3;
	s22 =	sadd.s32 $0x2000, s17  }
0x19: {  	s15 =	sadd.s32 s8, s5;
	s23 =	sadd.s32 $0x4000, s17;
	[dreg:$0x17] =	wrdreg s22  }
0x1a: {  	s24 =	sadd.s32 $0x6000, s17;
	s25 =	sadd.s32 $0x8000, s17;
	[dreg:$0x18] =	wrdreg s23  }
0x1b: {  	s31 =	sadd.s32 $0x12000, s17;
	s12 =	smov.u32 @p1 s13;
	[dreg:$0x19] =	wrdreg s24  }
0x1c: {  	s13 =	sshrl.u32 s8, $0x3;
	s8 =	simm.s32 @!p5 $0x0;
	[dreg:$0x1a] =	wrdreg s25  }
0x1d: {  	p1 =	por !p3, !p0;
	[dreg:$0x1f] =	wrdreg s31;
	s8 =	simm.s32 @p5 $0x1  }
0x1e: {  	s29 =	sshll.u32 s12, $0x4;
	s18 =	sadd.s32 s14, s13;
	[smem:$0x7FD] =	sst s8  }
0x1f: {  	s26 =	sshll.u32 s12, $0xB;
	s10 =	sadd.s32 s2, s29;
	[dreg:$0x11] =	wrdreg s18  }
0x20: {  	s11 =	sand.u32 $0x1FFFF800, s26;
	s26 =	sadd.s32 $0xA000, s17;
	[dreg:$0xe] =	wrdreg s10  }
0x21: {  	p3 =	por !p1, !p1;
	s29 =	sadd.s32 $0xE000, s17;
	[dreg:$0x1b] =	wrdreg s26  }
0x22: {  	p1 =	por !p6, !p6;
	s28 =	sadd.s32 s1, s11;
	[dreg:$0x1d] =	wrdreg s29  }
0x23: {  	s14 =	simm.s32 $0x15D78;
	s11 =	sadd.s32 s6, s30;
	[dreg:$0xd] =	wrdreg s28  }
0x24: {  	s6 =	sadd.s32 $0x26600, s0;
	s0 =	sadd.s32 s19, s13;
	[dreg:$0xf] =	wrdreg s11  }
.Ltmp0:
0x25: {  	s19 =	smax.u32 s7, $0x1;
	[dreg:$0x13] =	wrdreg s0;
	(pc) =	sbr.rel .LBB2_1-.Ltmp0, $4  }
0x26: {  	p4 =	por !p1, p3;
	s30 =	sadd.s32 $0x10000, s17;
	[dreg:$0x14] =	wrdreg s19  }
0x27: {  	s18 =	simm.s32 $0x1;
	s9 =	smov.u32 @p3 s6;
	[dreg:$0x1e] =	wrdreg s30  }
0x28: {  	s13 =	simm.s32 $0x80;
	s28 =	sadd.s32 $0xC000, s17;
	[dreg:$0x10] =	wrdreg s9  }
0x29: {  	v0 =	vimm.f32 $0.0e+00;
	v1 =	vimm.f32 $1.000000000e+00;
	s11 =	sadd.s32 $0xFFFFFFFF, s16;
	s19 =	simm.s32 $0x2;
	[dreg:$0x1c] =	wrdreg s28  }
.LBB2_11:
0x2a: {  	s20 =	sadd.s32 $0x1, s20;
	s0 =	rddreg [dreg:$0x14]  }
0x2b: {  	p1 =	sne.s32 s20, s0  }
.Ltmp1:
0x2c: {  	_ = 	snop;
	(pc) =	sbr.rel @!p1 .LBB2_12-.Ltmp1, $1  }
0x2d: {  	_ =	sdelay $0x3  }
.LBB2_1:
0x2e: {  	s0 =	simm.s32 $0x0;
	s3 =	simm.s32 $0x200  }
.LBB2_2:
0x2f: {  	p1 =	sne.s32 s3, $0x7E00;
	[tilespmem:s0+$0x13B68] =	vst v0  }
0x30: {  	[tilespmem:s0+$0x13AF8] =	vst v0  }
0x31: {  	[tilespmem:s0+$0x13B08] =	vst v0  }
.Ltmp2:
0x32: {  	[tilespmem:s0+$0x13B18] =	vst v0;
	(pc) =	sbr.rel @p1 .LBB2_2-.Ltmp2, $4  }
0x33: {  	[tilespmem:s0+$0x13B28] =	vst v0  }
0x34: {  	[tilespmem:s0+$0x13B38] =	vst v0  }
0x35: {  	[tilespmem:s0+$0x13B48] =	vst v0  }
0x36: {  	[tilespmem:s0+$0x13B58] =	vst v0;
	s0 =	sshra.s32 s3, $0x2;
	s3 =	sadd.s32 $0x200, s3  }
0x37: {  	[tilespmem:s0+$0x13B68] =	vst v0  }
0x38: {  	[tilespmem:s0+$0x13AF8] =	vst v0  }
0x39: {  	[tilespmem:s0+$0x13B08] =	vst v0  }
0x3a: {  	[tilespmem:s0+$0x13B18] =	vst v0  }
0x3b: {  	[tilespmem:s0+$0x13B28] =	vst v0  }
0x3c: {  	[tilespmem:s0+$0x13B38] =	vst v0  }
0x3d: {  	[tilespmem:s0+$0x13B48] =	vst v0  }
0x3e: {  	[tilespmem:s0+$0x13B58] =	vst v0  }
0x3f: {  	[tilespmem:$0x15AF8] =	vst v0  }
0x40: {  	[tilespmem:$0x15B08] =	vst v0  }
0x41: {  	[tilespmem:$0x15B18] =	vst v0  }
0x42: {  	[tilespmem:$0x15B28] =	vst v0  }
0x43: {  	[tilespmem:$0x15B38] =	vst v0  }
0x44: {  	[tilespmem:$0x15B48] =	vst v0  }
0x45: {  	[tilespmem:$0x15B58] =	vst v0  }
0x46: {  	[tilespmem:$0x15B68] =	vst v0  }
0x47: {  	[tilespmem:$0x15B78] =	vst v0  }
0x48: {  	[tilespmem:$0x15B88] =	vst v0  }
0x49: {  	[tilespmem:$0x15B98] =	vst v0  }
0x4a: {  	[tilespmem:$0x15BA8] =	vst v0  }
0x4b: {  	[tilespmem:$0x15BB8] =	vst v0  }
0x4c: {  	[tilespmem:$0x15BC8] =	vst v0  }
0x4d: {  	[tilespmem:$0x15BD8] =	vst v0  }
0x4e: {  	[tilespmem:$0x15BE8] =	vst v0  }
0x4f: {  	[tilespmem:$0x15BF8] =	vst v0  }
0x50: {  	[tilespmem:$0x15C08] =	vst v0  }
0x51: {  	[tilespmem:$0x15C18] =	vst v0  }
0x52: {  	[tilespmem:$0x15C28] =	vst v0  }
0x53: {  	[tilespmem:$0x15C38] =	vst v0  }
0x54: {  	[tilespmem:$0x15C48] =	vst v0  }
0x55: {  	[tilespmem:$0x15C58] =	vst v0  }
0x56: {  	[tilespmem:$0x15C68] =	vst v0  }
0x57: {  	[tilespmem:$0x15C78] =	vst v0  }
0x58: {  	[tilespmem:$0x15C88] =	vst v0  }
0x59: {  	[tilespmem:$0x15C98] =	vst v0  }
0x5a: {  	[tilespmem:$0x15CA8] =	vst v0  }
0x5b: {  	[tilespmem:$0x15CB8] =	vst v0  }
0x5c: {  	[tilespmem:$0x15CC8] =	vst v0  }
0x5d: {  	[tilespmem:$0x15CD8] =	vst v0  }
0x5e: {  	[tilespmem:$0x15CE8] =	vst v0  }
0x5f: {  	[tilespmem:$0x15CF8] =	vst v0  }
0x60: {  	[tilespmem:$0x15D08] =	vst v0  }
0x61: {  	[tilespmem:$0x15D18] =	vst v0  }
0x62: {  	[tilespmem:$0x15D28] =	vst v0  }
0x63: {  	[tilespmem:$0x15D38] =	vst v0  }
0x64: {  	[tilespmem:$0x15D48] =	vst v0  }
0x65: {  	[tilespmem:$0x15D58] =	vst v0  }
0x66: {  	[tilespmem:$0x15D68] =	vst v0  }
0x67: {  	[tilespmem:$0x15D78] =	vst v1  }
0x68: {  	[tilespmem:$0x15D88] =	vst v1  }
0x69: {  	[tilespmem:$0x15D98] =	vst v1  }
0x6a: {  	[tilespmem:$0x15DA8] =	vst v1  }
0x6b: {  	[tilespmem:$0x15DB8] =	vst v1  }
0x6c: {  	[tilespmem:$0x15DC8] =	vst v1  }
0x6d: {  	[tilespmem:$0x15DD8] =	vst v1  }
0x6e: {  	s0 =	simm.s32 @p0 $0x13AF8;
	s3 =	rddreg [dreg:$0x8];
	[tilespmem:$0x15DE8] =	vst v1  }
0x6f: {  	[spmem:s3] =	stream.linear.scatter @p0 [tilespmem:s0], [sflag:$0x2], $0x2000, $0x38;
	[tilespmem:$0x1DEF8] =	vst v63  }
0x70: {  	s3 =	simm.s32 @p0 $0x2  }
0x71: {  	_ =	swait.ge @p0 [sflag:s3], $0x2000  }
0x72: {  	[sflag:s3] =	ssyncset.done @p0 $0x0  }
0x73: {  	s6 =	rddreg [dreg:$0x9];
	[sflag:s3] =	ssyncadd.s32 @p0 $0xFFFFE000  }
0x74: {  	[spmem:s6] =	stream.linear.scatter @p0 [tilespmem:s0], [sflag:$0x2], $0x2000, $0x38;
	[tilespmem:$0x1DEF8] =	vst v63  }
0x75: {  	_ =	swait.ge @p0 [sflag:s3], $0x2000  }
0x76: {  	[sflag:s3] =	ssyncset.done @p0 $0x0  }
0x77: {  	s6 =	rddreg [dreg:$0xa];
	[sflag:s3] =	ssyncadd.s32 @p0 $0xFFFFE000  }
0x78: {  	[spmem:s6] =	stream.linear.scatter @p0 [tilespmem:s0], [sflag:$0x2], $0x2000, $0x38;
	[tilespmem:$0x1DEF8] =	vst v63  }
0x79: {  	_ =	swait.ge @p0 [sflag:s3], $0x2000  }
0x7a: {  	[sflag:s3] =	ssyncset.done @p0 $0x0  }
0x7b: {  	s6 =	rddreg [dreg:$0xb];
	[sflag:s3] =	ssyncadd.s32 @p0 $0xFFFFE000  }
0x7c: {  	[spmem:s6] =	stream.linear.scatter @p0 [tilespmem:s0], [sflag:$0x2], $0x2000, $0x38;
	[tilespmem:$0x1DEF8] =	vst v63  }
0x7d: {  	_ =	swait.ge @p0 [sflag:s3], $0x2000  }
0x7e: {  	[sflag:s3] =	ssyncset.done @p0 $0x0  }
0x7f: {  	s6 =	rddreg [dreg:$0xc];
	[sflag:s3] =	ssyncadd.s32 @p0 $0xFFFFE000  }
0x80: {  	[spmem:s6] =	stream.linear.scatter @p0 [tilespmem:s0], [sflag:$0x2], $0x2000, $0x38;
	[tilespmem:$0x1DEF8] =	vst v63  }
0x81: {  	_ =	swait.ge @p0 [sflag:s3], $0x2000  }
0x82: {  	[sflag:s3] =	ssyncset.done @p0 $0x0  }
0x83: {  	s6 =	rddreg [dreg:$0x15];
	[sflag:s3] =	ssyncadd.s32 @p0 $0xFFFFE000  }
0x84: {  	[spmem:s6] =	stream.linear.scatter @p0 [tilespmem:s0], [sflag:$0x2], $0x2000, $0x38;
	[tilespmem:$0x1DEF8] =	vst v63  }
0x85: {  	_ =	swait.ge @p0 [sflag:s3], $0x2000  }
0x86: {  	[sflag:s3] =	ssyncset.done @p0 $0x0  }
0x87: {  	s6 =	rddreg [dreg:$0x16];
	[sflag:s3] =	ssyncadd.s32 @p0 $0xFFFFE000  }
0x88: {  	[spmem:s6] =	stream.linear.scatter @p0 [tilespmem:s0], [sflag:$0x2], $0x800, $0x38;
	[tilespmem:$0x1DEF8] =	vst v63  }
0x89: {  	_ =	swait.ge @p0 [sflag:s3], $0x800  }
0x8a: {  	[sflag:s3] =	ssyncset.done @p0 $0x0  }
0x8b: {  	s0 =	simm.s32 @p0 $0x15AF8;
	[sflag:s3] =	ssyncadd.s32 @p0 $0xFFFFF800  }
0x8c: {  	[spmem:s15] =	stream.linear.scatter @p0 [tilespmem:s0], [sflag:$0x2], $0x190, $0x38;
	[tilespmem:$0x1DEF8] =	vst v63  }
0x8d: {  	_ =	swait.ge @p0 [sflag:s3], $0x190  }
0x8e: {  	[sflag:s3] =	ssyncset.done @p0 $0x0  }
0x8f: {  	s0 =	simm.s32 @!p0 $0x13AF8;
	[sflag:s3] =	ssyncadd.s32 @p0 $0xFFFFFE70;
	s3 =	simm.s32 @!p0 $0x2  }
0x90: {  	[spmem:s17] =	stream.linear.scatter @!p0 [tilespmem:s0], [sflag:$0x2], $0x2000, $0x38;
	[tilespmem:$0x1DEF8] =	vst v63  }
0x91: {  	_ =	swait.ge @!p0 [sflag:s3], $0x2000  }
0x92: {  	[sflag:s3] =	ssyncset.done @!p0 $0x0  }
0x93: {  	s6 =	rddreg [dreg:$0x17];
	[sflag:s3] =	ssyncadd.s32 @!p0 $0xFFFFE000  }
0x94: {  	[spmem:s6] =	stream.linear.scatter @!p0 [tilespmem:s0], [sflag:$0x2], $0x2000, $0x38;
	[tilespmem:$0x1DEF8] =	vst v63  }
0x95: {  	_ =	swait.ge @!p0 [sflag:s3], $0x2000  }
0x96: {  	[sflag:s3] =	ssyncset.done @!p0 $0x0  }
0x97: {  	s6 =	rddreg [dreg:$0x18];
	[sflag:s3] =	ssyncadd.s32 @!p0 $0xFFFFE000  }
0x98: {  	[spmem:s6] =	stream.linear.scatter @!p0 [tilespmem:s0], [sflag:$0x2], $0x2000, $0x38;
	[tilespmem:$0x1DEF8] =	vst v63  }
0x99: {  	_ =	swait.ge @!p0 [sflag:s3], $0x2000  }
0x9a: {  	[sflag:s3] =	ssyncset.done @!p0 $0x0  }
0x9b: {  	s6 =	rddreg [dreg:$0x19];
	[sflag:s3] =	ssyncadd.s32 @!p0 $0xFFFFE000  }
0x9c: {  	[spmem:s6] =	stream.linear.scatter @!p0 [tilespmem:s0], [sflag:$0x2], $0x2000, $0x38;
	[tilespmem:$0x1DEF8] =	vst v63  }
0x9d: {  	_ =	swait.ge @!p0 [sflag:s3], $0x2000  }
0x9e: {  	[sflag:s3] =	ssyncset.done @!p0 $0x0  }
0x9f: {  	s6 =	rddreg [dreg:$0x1a];
	[sflag:s3] =	ssyncadd.s32 @!p0 $0xFFFFE000  }
0xa0: {  	[spmem:s6] =	stream.linear.scatter @!p0 [tilespmem:s0], [sflag:$0x2], $0x2000, $0x38;
	[tilespmem:$0x1DEF8] =	vst v63  }
0xa1: {  	_ =	swait.ge @!p0 [sflag:s3], $0x2000  }
0xa2: {  	[sflag:s3] =	ssyncset.done @!p0 $0x0  }
0xa3: {  	s6 =	rddreg [dreg:$0x1b];
	[sflag:s3] =	ssyncadd.s32 @!p0 $0xFFFFE000  }
0xa4: {  	[spmem:s6] =	stream.linear.scatter @!p0 [tilespmem:s0], [sflag:$0x2], $0x2000, $0x38;
	[tilespmem:$0x1DEF8] =	vst v63  }
0xa5: {  	_ =	swait.ge @!p0 [sflag:s3], $0x2000  }
0xa6: {  	[sflag:s3] =	ssyncset.done @!p0 $0x0  }
0xa7: {  	s6 =	rddreg [dreg:$0x1c];
	[sflag:s3] =	ssyncadd.s32 @!p0 $0xFFFFE000  }
0xa8: {  	[spmem:s6] =	stream.linear.scatter @!p0 [tilespmem:s0], [sflag:$0x2], $0x2000, $0x38;
	[tilespmem:$0x1DEF8] =	vst v63  }
0xa9: {  	_ =	swait.ge @!p0 [sflag:s3], $0x2000  }
0xaa: {  	[sflag:s3] =	ssyncset.done @!p0 $0x0  }
0xab: {  	s6 =	rddreg [dreg:$0x1d];
	[sflag:s3] =	ssyncadd.s32 @!p0 $0xFFFFE000  }
0xac: {  	[spmem:s6] =	stream.linear.scatter @!p0 [tilespmem:s0], [sflag:$0x2], $0x2000, $0x38;
	[tilespmem:$0x1DEF8] =	vst v63  }
0xad: {  	_ =	swait.ge @!p0 [sflag:s3], $0x2000  }
0xae: {  	[sflag:s3] =	ssyncset.done @!p0 $0x0  }
0xaf: {  	s6 =	rddreg [dreg:$0x1e];
	[sflag:s3] =	ssyncadd.s32 @!p0 $0xFFFFE000  }
0xb0: {  	[spmem:s6] =	stream.linear.scatter @!p0 [tilespmem:s0], [sflag:$0x2], $0x2000, $0x38;
	[tilespmem:$0x1DEF8] =	vst v63  }
0xb1: {  	_ =	swait.ge @!p0 [sflag:s3], $0x2000  }
0xb2: {  	[sflag:s3] =	ssyncset.done @!p0 $0x0  }
0xb3: {  	s6 =	rddreg [dreg:$0x1f];
	[sflag:s3] =	ssyncadd.s32 @!p0 $0xFFFFE000  }
0xb4: {  	[spmem:s6] =	stream.linear.scatter @!p0 [tilespmem:s0], [sflag:$0x2], $0x2000, $0x38;
	[tilespmem:$0x1DEF8] =	vst v63  }
0xb5: {  	_ =	swait.ge @!p0 [sflag:s3], $0x2000  }
0xb6: {  	s25 =	simm.s32 $0x15DF8;
	s28 =	simm.s32 $0x1DDF8;
	[sflag:s3] =	ssyncset.done @!p0 $0x0  }
0xb7: {  	s22 =	simm.s32 $0x0;
	s0 =	simm.s32 @!p0 $0x15AF8;
	[sflag:s3] =	ssyncadd.s32 @!p0 $0xFFFFE000  }
0xb8: {  	[spmem:s15] =	stream.linear.scatter @!p0 [tilespmem:s0], [sflag:$0x2], $0x280, $0x38;
	[tilespmem:$0x1DEF8] =	vst v63  }
0xb9: {  	s23 =	simm.s32 $0x0;
	s31 =	simm.s32 $0x1;
	_ =	swait.ge @!p0 [sflag:s3], $0x280  }
0xba: {  	p1 =	sne.s32 s11, $0x1;
	p6 =	seq.s32 s16, $0x1;
	[sflag:s3] =	ssyncset.done @!p0 $0x0  }
0xbb: {  	p5 =	por $0x0, $0x0;
	s23 =	sand.u32 $0x80, s23;
	[sflag:s3] =	ssyncadd.s32 @!p0 $0xFFFFFD80  }
0xbc: {  	s22 =	sand.u32 $0x4000, s22;
	s23 =	sadd.s32 $0x1DDF8, s23;
	[bflag:$0x0] =	sbarrier.arrive $0xFFFF  }
.Ltmp3:
0xbd: {  	s0 =	simm.s32 $0x0;
	s24 =	rddreg [dreg:$0xd];
	(pc) =	sbr.rel @!p1 .LBB2_4-.Ltmp3, $4  }
0xbe: {  	[tilespmem:s25], [sflag:$0x2] =	stream.linear.gather [hbm4b:s24+s0], $0x4000, $0x38;
	[tilespmem:$0x1DEF8] =	vst v63  }
0xbf: {  	s6 =	simm.s32 $0x1;
	s30 =	sand.u32 $0x1, s0;
	s26 =	rddreg [dreg:$0xe]  }
0xc0: {  	[tilespmem:s28], [sflag:$0x4] =	stream.linear.gather [hbm4b:s26+s0], $0x80, $0x38;
	[tilespmem:$0x1DEF8] =	vst v63  }
0xc1: {  	s7 =	sand.u32 $0x1, s0;
	s29 =	sor.u32 $0x4, s30;
	s26 =	sadd.s32 $0x15DF8, s22  }
0xc2: {  	s31 =	simm.s32 @p6 $0x0  }
0xc3: {  	p1 =	seq.s32 s31, $0x0  }
0xc4: {  	s0 =	sadd.s32 @!p1 s12, s31  }
0xc5: {  	s3 =	sand.u32 @!p1 $0x1, s6;
	s28 =	simm.s32 @!p1 $0x0;
	s24 =	sshll.u32 @!p1 s0, $0xB  }
0xc6: {  	s22 =	sshll.u32 @!p1 s3, $0xE;
	s0 =	sshll.u32 @!p1 s0, $0x4;
	s24 =	sand.u32 @!p1 $0x1FFFF800, s24  }
0xc7: {  	s25 =	sor.u32 @!p1 $0x2, s3;
	s22 =	sadd.s32 @!p1 $0x15DF8, s22;
	s24 =	sadd.s32 @!p1 s1, s24  }
0xc8: {  	[tilespmem:s22], [sflag:s25] =	stream.linear.gather @!p1 [hbm4b:s24+s28], $0x4000, $0x38;
	[tilespmem:$0x1DEF8] =	vst v63  }
0xc9: {  	s7 =	sor.u32 $0x2, s7;
	s0 =	sand.u32 @!p1 $0x1FFFFFF0, s0;
	s22 =	sshll.u32 @!p1 s3, $0x7  }
0xca: {  	s0 =	sadd.s32 @!p1 s2, s0;
	s3 =	sor.u32 @!p1 $0x4, s3;
	s22 =	sadd.s32 @!p1 $0x1DDF8, s22  }
0xcb: {  	[tilespmem:s22], [sflag:s3] =	stream.linear.gather @!p1 [hbm4b:s0+s28], $0x80, $0x38;
	[tilespmem:$0x1DEF8] =	vst v63  }
0xcc: {  	s30 =	simm.s32 $0x2;
	_ =	swait.ge [sflag:s7], $0x4000  }
0xcd: {  	p5 =	sne.s32 s31, $0x0;
	s3 =	simm.s32 @!p1 $0x2;
	[sflag:s7] =	ssyncset.done $0x0  }
0xce: {  	s0 =	simm.s32 @!p1 $0x1;
	s22 =	simm.s32 $0x1;
	[sflag:s7] =	ssyncadd.s32 $0xFFFFC000  }
0xcf: {  	s3 =	smov.u32 @p1 s6;
	s22 =	simm.s32 @!p5 $0x0;
	_ =	swait.ge [sflag:s29], $0x80  }
0xd0: {  	s0 =	simm.s32 @p1 $0x0;
	p1 =	sne.s32 s11, $0x2;
	[sflag:s29] =	ssyncset.done $0x0  }
0xd1: {  	p5 =	por $0x1, $0x1;
	s28 =	sadd.s32 $0x0, s22;
	[sflag:s29] =	ssyncadd.s32 $0xFFFFFF80  }
0xd2: {  	[spmem:s4] =	stream.indirect.scatter.add.f32 [tilespmem:s26], [sflag:$0x1], $0x80, s23, s13, $0xb8;
	[tilespmem:$0x1DEF8] =	vst v63  }
0xd3: {  	s24 =	sadd.s32 $0x1, s0;
	s7 =	sand.u32 $0x1, s28;
	s21 =	sshll.u32 s28, $0xE  }
0xd4: {  	[spmem:s5] =	stream.indirect.scatter.add.f32 [tilespmem:s14], [sflag:$0x1], $0x1, s23, s13, $0xb8;
	[tilespmem:$0x1DEF8] =	vst v63  }
.Ltmp4:
0xd5: {  	s25 =	sshll.u32 s28, $0x7;
	s22 =	sand.u32 $0x1, s28;
	(pc) =	sbr.rel @!p1 .LBB2_6-.Ltmp4, $4  }
0xd6: {  	s6 =	sand.u32 $0x80, s25;
	s25 =	sadd.s32 $0x1, s31;
	_ =	swait.ge [sflag:s18], $0x4000  }
0xd7: {  	s0 =	sand.u32 $0x4000, s21;
	p6 =	seq.s32 s25, s16;
	[sflag:s18] =	ssyncset.done $0x0  }
0xd8: {  	s29 =	sor.u32 $0x4, s22;
	s22 =	smov.u32 s28;
	[sflag:s18] =	ssyncadd.s32 $0xFFFFC000  }
0xd9: {  	s26 =	sadd.s32 $0x15DF8, s0;
	s23 =	sadd.s32 $0x1DDF8, s6;
	_ =	swait.ge [sflag:s18], $0x80  }
.LBB2_7:
0xda: {  	s0 =	smov.u32 s3  }
0xdb: {  	s25 =	simm.s32 @p6 $0x0;
	s6 =	sor.u32 $0x2, s7;
	[sflag:s18] =	ssyncset.done $0x0  }
0xdc: {  	p1 =	seq.s32 s31, s25;
	p6 =	sne.s32 s31, s25;
	[sflag:s18] =	ssyncadd.s32 $0xFFFFFF80  }
0xdd: {  	s3 =	sadd.s32 @!p1 s12, s25;
	s7 =	sand.u32 @!p1 $0x1, s0;
	s31 =	sand.u32 @!p1 $0x1, s24  }
0xde: {  	s8 =	sshll.u32 @!p1 s7, $0xE;
	s21 =	sshll.u32 @!p1 s3, $0xB;
	s3 =	sshll.u32 @!p1 s3, $0x4  }
0xdf: {  	s7 =	sor.u32 @!p1 $0x2, s7;
	s8 =	sadd.s32 @!p1 $0x15DF8, s8;
	s21 =	sand.u32 @!p1 $0x1FFFF800, s21  }
0xe0: {  	s10 =	simm.s32 @!p1 $0x0;
	s9 =	sshll.u32 @!p1 s31, $0x7;
	s21 =	sadd.s32 @!p1 s1, s21  }
0xe1: {  	[tilespmem:s8], [sflag:s7] =	stream.linear.gather @!p1 [hbm4b:s21+s10], $0x4000, $0x38;
	[tilespmem:$0x1DEF8] =	vst v63  }
0xe2: {  	s30 =	sadd.s32 $0x1, s30;
	s7 =	sadd.s32 @!p1 $0x1DDF8, s9  }
0xe3: {  	s8 =	sor.u32 @!p1 $0x4, s31;
	s9 =	sand.u32 @!p1 $0x1FFFFFF0, s3;
	s3 =	sadd.s32 @!p1 $0x1, s0  }
0xe4: {  	s21 =	simm.s32 @!p1 $0x1;
	s9 =	sadd.s32 @!p1 s2, s9;
	s3 =	smov.u32 @p1 s0  }
0xe5: {  	[tilespmem:s7], [sflag:s8] =	stream.linear.gather @!p1 [hbm4b:s9+s10], $0x80, $0x38;
	[tilespmem:$0x1DEF8] =	vst v63  }
0xe6: {  	s21 =	simm.s32 @p1 $0x0;
	s0 =	simm.s32 $0x1;
	_ =	swait.ge [sflag:s6], $0x4000  }
0xe7: {  	s24 =	sadd.s32 s24, s21;
	s0 =	simm.s32 @!p6 $0x0;
	[sflag:s6] =	ssyncset.done $0x0  }
0xe8: {  	s28 =	sadd.s32 s0, s28;
	s22 =	sadd.s32 s0, s22;
	[sflag:s6] =	ssyncadd.s32 $0xFFFFC000  }
0xe9: {  	s7 =	sand.u32 $0x1, s28;
	s0 =	sand.u32 $0x1, s22;
	_ =	swait.ge [sflag:s29], $0x80  }
0xea: {  	s8 =	sshll.u32 s22, $0x7;
	s6 =	sshll.u32 s28, $0xE;
	[sflag:s29] =	ssyncset.done $0x0  }
0xeb: {  	s8 =	sand.u32 $0x80, s8;
	s6 =	sand.u32 $0x4000, s6;
	[sflag:s29] =	ssyncadd.s32 $0xFFFFFF80  }
0xec: {  	[spmem:s4] =	stream.indirect.scatter.add.f32 [tilespmem:s26], [sflag:$0x1], $0x80, s23, s13, $0xb8;
	[tilespmem:$0x1DEF8] =	vst v63  }
0xed: {  	s31 =	smov.u32 s25;
	p1 =	sne.s32 s11, s30  }
0xee: {  	[spmem:s5] =	stream.indirect.scatter.add.f32 [tilespmem:s14], [sflag:$0x1], $0x1, s23, s13, $0xb8;
	[tilespmem:$0x1DEF8] =	vst v63  }
.Ltmp5:
0xef: {  	_ = 	snop;
	(pc) =	sbr.rel @p1 .LBB2_7-.Ltmp5, $4  }
0xf0: {  	_ =	swait.ge [sflag:s18], $0x4000  }
0xf1: {  	s23 =	sadd.s32 $0x1DDF8, s8;
	[sflag:s18] =	ssyncset.done $0x0  }
0xf2: {  	s25 =	sadd.s32 $0x1, s25;
	s26 =	sadd.s32 $0x15DF8, s6;
	[sflag:s18] =	ssyncadd.s32 $0xFFFFC000  }
0xf3: {  	p6 =	seq.s32 s25, s16;
	s29 =	sor.u32 $0x4, s0;
	_ =	swait.ge [sflag:s18], $0x80  }
0xf4: {  	s0 =	smov.u32 s31;
	s6 =	smov.u32 s3;
	s31 =	smov.u32 s30  }
.LBB2_9:
0xf5: {  	s25 =	simm.s32 @p6 $0x0  }
0xf6: {  	p6 =	seq.s32 s0, s25  }
0xf7: {  	[sflag:s18] =	ssyncset.done @p5 $0x0;
	s3 =	sadd.s32 @!p6 s12, s25  }
0xf8: {  	[sflag:s18] =	ssyncadd.s32 @p5 $0xFFFFFF80;
	s8 =	sand.u32 @!p6 $0x1, s6;
	s10 =	sshll.u32 @!p6 s3, $0xB  }
0xf9: {  	s21 =	simm.s32 @!p6 $0x0;
	s9 =	sshll.u32 @!p6 s8, $0xE;
	s10 =	sand.u32 @!p6 $0x1FFFF800, s10  }
0xfa: {  	s8 =	sor.u32 @!p6 $0x2, s8;
	s9 =	sadd.s32 @!p6 $0x15DF8, s9;
	s10 =	sadd.s32 @!p6 s1, s10  }
0xfb: {  	[tilespmem:s9], [sflag:s8] =	stream.linear.gather @!p6 [hbm4b:s10+s21], $0x4000, $0x38;
	[tilespmem:$0x1DEF8] =	vst v63  }
0xfc: {  	s3 =	sshll.u32 @!p6 s3, $0x4;
	s8 =	sand.u32 @!p6 $0x1, s24  }
0xfd: {  	s3 =	sand.u32 @!p6 $0x1FFFFFF0, s3;
	s9 =	sshll.u32 @!p6 s8, $0x7  }
0xfe: {  	s3 =	sadd.s32 @!p6 s2, s3;
	s8 =	sor.u32 @!p6 $0x4, s8;
	s9 =	sadd.s32 @!p6 $0x1DDF8, s9  }
0xff: {  	[tilespmem:s9], [sflag:s8] =	stream.linear.gather @!p6 [hbm4b:s3+s21], $0x80, $0x38;
	[tilespmem:$0x1DEF8] =	vst v63  }
0x100: {  	s21 =	sor.u32 $0x2, s7  }
0x101: {  	_ =	swait.ge [sflag:s21], $0x4000  }
0x102: {  	[sflag:s21] =	ssyncset.done $0x0  }
0x103: {  	[sflag:s21] =	ssyncadd.s32 $0xFFFFC000  }
0x104: {  	s3 =	sadd.s32 $0x1, s25;
	_ =	swait.ge [sflag:s29], $0x80  }
0x105: {  	p1 =	seq.s32 s3, s16;
	[sflag:s29] =	ssyncset.done $0x0  }
0x106: {  	s3 =	simm.s32 @p1 $0x0;
	p1 =	sge.u32 s31, s11;
	[sflag:s29] =	ssyncadd.s32 $0xFFFFFF80  }
0x107: {  	[spmem:s4] =	stream.indirect.scatter.add.f32 [tilespmem:s26], [sflag:$0x1], $0x80, s23, s13, $0xb8;
	[tilespmem:$0x1DEF8] =	vst v63  }
0x108: {  	p5 =	seq.s32 @!p1 s25, s3  }
0x109: {  	[spmem:s5] =	stream.indirect.scatter.add.f32 [tilespmem:s14], [sflag:$0x1], $0x1, s23, s13, $0xb8;
	[tilespmem:$0x1DEF8] =	vst v63  }
0x10a: {  	s7 =	sadd.s32 @!p6 $0x1, s6;
	p1 =	por p5, p1;
	_ =	swait.ge [sflag:s18], $0x4000  }
0x10b: {  	s7 =	smov.u32 @p6 s6;
	s3 =	sadd.s32 @!p1 s12, s3;
	[sflag:s18] =	ssyncset.done $0x0  }
0x10c: {  	s6 =	sand.u32 @!p1 $0x1, s7;
	s9 =	simm.s32 @!p1 $0x0;
	[sflag:s18] =	ssyncadd.s32 $0xFFFFC000  }
0x10d: {  	s7 =	sshll.u32 @!p1 s6, $0xE;
	s8 =	sshll.u32 @!p1 s3, $0xB;
	_ =	swait.ge [sflag:s18], $0x80  }
0x10e: {  	s6 =	sor.u32 @!p1 $0x2, s6;
	s8 =	sand.u32 @!p1 $0x1FFFF800, s8;
	[sflag:s18] =	ssyncset.done $0x0  }
0x10f: {  	s7 =	sadd.s32 @!p1 $0x15DF8, s7;
	s8 =	sadd.s32 @!p1 s1, s8;
	[sflag:s18] =	ssyncadd.s32 $0xFFFFFF80  }
0x110: {  	[tilespmem:s7], [sflag:s6] =	stream.linear.gather @!p1 [hbm4b:s8+s9], $0x4000, $0x38;
	[tilespmem:$0x1DEF8] =	vst v63  }
0x111: {  	s6 =	simm.s32 @!p6 $0x1  }
0x112: {  	s6 =	simm.s32 @p6 $0x0  }
0x113: {  	s6 =	sadd.s32 s24, s6  }
0x114: {  	s3 =	sshll.u32 @!p1 s3, $0x4;
	s6 =	sand.u32 @!p1 $0x1, s6  }
0x115: {  	s3 =	sand.u32 @!p1 $0x1FFFFFF0, s3;
	s7 =	sshll.u32 @!p1 s6, $0x7  }
0x116: {  	s3 =	sadd.s32 @!p1 s2, s3;
	s6 =	sor.u32 @!p1 $0x4, s6;
	s7 =	sadd.s32 @!p1 $0x1DDF8, s7  }
0x117: {  	[tilespmem:s7], [sflag:s6] =	stream.linear.gather @!p1 [hbm4b:s3+s9], $0x80, $0x38;
	[tilespmem:$0x1DEF8] =	vst v63  }
0x118: {  	p1 =	sne.s32 s0, s25;
	s0 =	simm.s32 $0x1  }
0x119: {  	s0 =	simm.s32 @!p1 $0x0  }
0x11a: {  	s26 =	sadd.s32 s0, s28  }
0x11b: {  	s28 =	sand.u32 $0x1, s26  }
0x11c: {  	s6 =	sor.u32 $0x2, s28  }
0x11d: {  	s0 =	sadd.s32 s0, s22;
	_ =	swait.ge [sflag:s6], $0x4000  }
0x11e: {  	s29 =	sand.u32 $0x1, s0;
	[sflag:s6] =	ssyncset.done $0x0  }
0x11f: {  	s30 =	sor.u32 $0x4, s29;
	[sflag:s6] =	ssyncadd.s32 $0xFFFFC000  }
0x120: {  	s3 =	sshll.u32 s26, $0xE;
	s0 =	sshll.u32 s0, $0x7;
	_ =	swait.ge [sflag:s30], $0x80  }
0x121: {  	s3 =	sand.u32 $0x4000, s3;
	s0 =	sand.u32 $0x80, s0;
	[sflag:s30] =	ssyncset.done $0x0  }
0x122: {  	s3 =	sadd.s32 $0x15DF8, s3;
	s0 =	sadd.s32 $0x1DDF8, s0;
	[sflag:s30] =	ssyncadd.s32 $0xFFFFFF80  }
0x123: {  	[spmem:s4] =	stream.indirect.scatter.add.f32 [tilespmem:s3], [sflag:$0x1], $0x80, s0, s13, $0xb8;
	[tilespmem:$0x1DEF8] =	vst v63  }
0x124: {  	_ = 	snop  }
0x125: {  	[spmem:s5] =	stream.indirect.scatter.add.f32 [tilespmem:s14], [sflag:$0x1], $0x1, s0, s13, $0xb8;
	[tilespmem:$0x1DEF8] =	vst v63  }
0x126: {  	_ =	swait.ge [sflag:s18], $0x4000  }
0x127: {  	[sflag:s18] =	ssyncset.done $0x0  }
0x128: {  	[sflag:s18] =	ssyncadd.s32 $0xFFFFC000  }
0x129: {  	_ =	swait.ge [sflag:s18], $0x80  }
0x12a: {  	[sflag:s18] =	ssyncset.done $0x0  }
0x12b: {  	s8 =	stileid.u32;
	[sflag:s18] =	ssyncadd.s32 $0xFFFFFF80  }
0x12c: {  	s0 =	sshll.u32 @p2 s8, $0x6;
	[bflag:$0x0] =	sbarrier.arrive $0xFFFF  }
0x12d: {  	s3 =	sshrl.u32 @p2 s17, $0x3;
	s0 =	sor.u32 @p2 $0x1C02, s0;
	s6 =	rddreg [dreg:$0xf]  }
0x12e: {  	[hbm:s6], [sflag:s0] =	dma.local @p2 [spmem:s3], $0x2800  }
0x12f: {  	s0 =	simm.s32 @p2 $0x2  }
0x130: {  	_ =	swait.ge @p2 [sflag:s0], $0x2800  }
0x131: {  	[sflag:s0] =	ssyncset.done @p2 $0x0  }
0x132: {  	s3 =	simm.s32 @p2 $0x15AF8;
	[sflag:s0] =	ssyncadd.s32 @p2 $0xFFFFD800  }
0x133: {  	[tilespmem:s3], [sflag:$0x2] =	stream.linear.gather @p2 [spmem:s15], $0x280, $0x38;
	[tilespmem:$0x1DEF8] =	vst v63  }
0x134: {  	_ =	swait.ge @p2 [sflag:s0], $0x280  }
0x135: {  	[sflag:s0] =	ssyncset.done @p2 $0x0  }
0x136: {  	s6 =	simm.s32 @p2 $0x0;
	s7 =	rddreg [dreg:$0x11];
	[sflag:s0] =	ssyncadd.s32 @p2 $0xFFFFFD80  }
0x137: {  	[hbm4b:s7+s6] =	stream.linear.scatter @p2 [tilespmem:s3], [sflag:$0x2], $0x280, $0x38;
	[tilespmem:$0x1DEF8] =	vst v63  }
0x138: {  	_ =	swait.ge @p2 [sflag:s0], $0x280  }
0x139: {  	s3 =	sshll.u32 @!p4 s8, $0x6;
	[sflag:s0] =	ssyncset.done @p2 $0x0;
	s6 =	rddreg [dreg:$0x12]  }
0x13a: {  	[sflag:s0] =	ssyncadd.s32 @p2 $0xFFFFFD80;
	s0 =	sor.u32 @!p4 $0x1C02, s3;
	s3 =	sshrl.u32 @!p4 s17, $0x3  }
0x13b: {  	[hbm:s6], [sflag:s0] =	dma.local @!p4 [spmem:s3], $0x2800  }
0x13c: {  	s0 =	simm.s32 @!p4 $0x2  }
0x13d: {  	_ =	swait.ge @!p4 [sflag:s0], $0x2800  }
0x13e: {  	[sflag:s0] =	ssyncset.done @!p4 $0x0  }
0x13f: {  	s3 =	simm.s32 @!p4 $0x15AF8;
	[sflag:s0] =	ssyncadd.s32 @!p4 $0xFFFFD800  }
0x140: {  	[tilespmem:s3], [sflag:$0x2] =	stream.linear.gather @!p4 [spmem:s15], $0x280, $0x38;
	[tilespmem:$0x1DEF8] =	vst v63  }
0x141: {  	_ =	swait.ge @!p4 [sflag:s0], $0x280  }
0x142: {  	s31 =	sld [smem:$0x7FD];
	_ =	sdelay $0x2  }
0x143: {  	p1 =	por @!p4 $0x1, $0x1;
	p5 =	seq.s32 s31, $0x1  }
0x144: {  	p5 =	por @!p4 p1, p1  }
0x145: {  	p1 =	por @!p3 !p5, !p0  }
0x146: {  	p1 =	por @!p3 !p1, !p1  }
0x147: {  	s6 =	simm.s32 @!p4 $0x0;
	[sflag:s0] =	ssyncset.done @!p4 $0x0;
	p1 =	por p3, p1  }
.Ltmp6:
0x148: {  	s8 =	rddreg [dreg:$0x13];
	[sflag:s0] =	ssyncadd.s32 @!p4 $0xFFFFFD80;
	(pc) =	sbr.rel @!p1 .LBB2_11-.Ltmp6, $4  }
0x149: {  	[hbm4b:s8+s6] =	stream.linear.scatter @!p4 [tilespmem:s3], [sflag:$0x2], $0x280, $0x38;
	[tilespmem:$0x1DEF8] =	vst v63  }
0x14a: {  	_ =	swait.ge @!p4 [sflag:s0], $0x280  }
0x14b: {  	[sflag:s0] =	ssyncset.done @!p4 $0x0  }
0x14c: {  	s7 =	stileid.u32;
	[sflag:s0] =	ssyncadd.s32 @!p4 $0xFFFFFD80  }
0x14d: {  	s0 =	rddreg [dreg:$0x8]  }
0x14e: {  	s3 =	rddreg [dreg:$0x10];
	s6 =	simm.s32 $0x1FC2;
	s0 =	sshrl.u32 s0, $0x3  }
0x14f: {  	[hbm:s3], [sflag:s6] =	dma.local [spmem:s0], $0x1900  }
0x150: {  	_ =	swait.ge [sflag:s19], $0x1900  }
0x151: {  	[sflag:s19] =	ssyncset.done $0x0  }
0x152: {  	s30 =	simm.s32 $0x15AF8;
	[sflag:s19] =	ssyncadd.s32 $0xFFFFE700  }
0x153: {  	[tilespmem:s30], [sflag:$0x2] =	stream.linear.gather [spmem:s15], $0x190, $0x38;
	[tilespmem:$0x1DEF8] =	vst v63  }
0x154: {  	s0 =	rddreg [dreg:$0x7];
	_ =	swait.ge [sflag:s19], $0x190  }
0x155: {  	s3 =	rddreg [dreg:$0x3]  }
0x156: {  	s31 =	simm.s32 $0x0;
	[sflag:s19] =	ssyncset.done $0x0;
	s0 =	smov.u32 @p3 s3  }
.Ltmp7:
0x157: {  	[sflag:s19] =	ssyncadd.s32 $0xFFFFFE70;
	s0 =	sadd.s32 $0x4B0, s0;
	(pc) =	sbr.rel .LBB2_11-.Ltmp7, $4  }
0x158: {  	[hbm4b:s0+s31] =	stream.linear.scatter [tilespmem:s30], [sflag:$0x2], $0x190, $0x38;
	[tilespmem:$0x1DEF8] =	vst v63  }
0x159: {  	_ =	swait.ge [sflag:s19], $0x190  }
0x15a: {  	[sflag:s19] =	ssyncset.done $0x0  }
0x15b: {  	[sflag:s19] =	ssyncadd.s32 $0xFFFFFE70  }
.LBB2_4:
.Ltmp8:
0x15c: {  	(pc) =	sbr.rel .LBB2_9-.Ltmp8, $3  }
0x15d: {  	_ =	sdelay $0x1  }
0x15e: {  	s25 =	simm.s32 $0x1  }
0x15f: {  	s24 =	simm.s32 $0x1;
	s28 =	simm.s32 $0x0;
	s22 =	simm.s32 $0x0  }
.LBB2_6:
.Ltmp9:
0x160: {  	(pc) =	sbr.rel .LBB2_9-.Ltmp9, $3  }
0x161: {  	_ =	sdelay $0x1  }
0x162: {  	s0 =	smov.u32 s31  }
0x163: {  	s6 =	smov.u32 s3;
	s22 =	smov.u32 s28;
	s31 =	simm.s32 $0x2  }
.LBB2_12:
0x164: {  	_ =	sfence.sel $0x180000  }
0x165: {  	[bflag:$0x0] =	sbarrier.arrive $0xFFFF  }
0x166: {  	_ =	strace $0x90000047  }
0x167: {  	[bflag:$0x2] =	sbarrier.arrive $0xFFFF  }
0x168: {  	p0 =	sne.s32 s7, $0x0;
	s0 =	rddreg [dreg:$0x6]  }
0x169: {  	s0 =	sadd.s32 @!p0 $0x100000, s0  }
0x16a: {  	[sflag:s0] =	ssyncadd.tile.s32 @!p0 $0x1;
	_ =	shalt  }
.Lfunc_end2:
_tile_overlayer_lowered:
.L_overlay_start_2:
0x16b: {  	(tag) =	ssettag $0x2  }
0x16c: {  	s0 =	rddreg [dreg:$0x0];
	s2 =	stileid.u32  }
0x16d: {  	s1 =	rddreg [dreg:$0x1];
	p0 =	sne.s32 s2, $0x0  }
0x16e: {  	s3 =	rddreg [dreg:$0x2];
	[bflag:$0x3] =	sbarrier.arrive $0xFFFF;
	s2 =	simm.s32 @!p0 $0x1C02  }
0x16f: {  	[timem:s3], [sflag:s2] =	dma.local @!p0 [hbm:s0], s1  }
0x170: {  	s0 =	simm.s32 @!p0 $0x2  }
0x171: {  	_ =	swait.ge @!p0 [sflag:s0], s1  }
0x172: {  	s1 =	ssub.s32 @!p0 $0x0, s1;
	[sflag:s0] =	ssyncset.done @!p0 $0x0  }
0x173: {  	[sflag:s0] =	ssyncadd.s32 @!p0 s1  }
0x174: {  	[bflag:$0x3] =	sbarrier.arrive $0xFFFF  }
0x175: {  	_ =	shalt  }

</sc_bundles>
